<compile_context>
chip_gen: v7x
topology: tpu7x:2x2x1
jax: 0.10.2.dev20260603
libtpu: 0.0.44.dev20260713+nightly
codegen_flags: <defaults>
</compile_context>

<pallas_src>
import functools

import jax
import jax.numpy as jnp
from jax import lax
from jax.experimental import pallas as pl
from jax.experimental.pallas import tpu as pltpu
from jax.experimental.pallas import tpu_sc as plsc

_CF = 32


def _tc_body(in_ref, fast_ref):
    fast_ref[...] = in_ref[...]


def _fast_copy(frames):
    B, T, H, W = frames.shape
    return pl.pallas_call(
        _tc_body,
        grid=(B, T // _CF),
        in_specs=[pl.BlockSpec((1, _CF, H, W), lambda b, q: (b, q, 0, 0))],
        out_specs=pl.BlockSpec((1, _CF, H, W), lambda b, q: (b, q, 0, 0)),
        out_shape=jax.ShapeDtypeStruct((B, T, H, W), frames.dtype),
        compiler_params=pltpu.CompilerParams(
            dimension_semantics=("parallel", "parallel"),
        ),
    )(frames)


def _slow_gather(frames):
    B, T, H, W = frames.shape
    Ts = T // 4
    HH = H // 2
    n_items = B * Ts * 2
    n_workers = 32
    per_w = n_items // n_workers

    mesh = plsc.VectorSubcoreMesh(core_axis_name="c", subcore_axis_name="s")

    @functools.partial(
        pl.kernel,
        mesh=mesh,
        out_type=jax.ShapeDtypeStruct((B, Ts, H, W), frames.dtype),
        scratch_types=[
            pltpu.VMEM((2, HH, W), frames.dtype),
            pltpu.SemaphoreType.DMA,
            pltpu.SemaphoreType.DMA,
        ],
    )
    def k(in_hbm, out_hbm, buf, sem_in, sem_out):
        wid = lax.axis_index("s") * 2 + lax.axis_index("c")

        def piece(k_):
            i = wid * per_w + k_
            f, h = i // 2, i % 2
            b, p = f // Ts, f % Ts
            t = (21 * p) // 5
            r0 = h * HH
            return b, p, t, r0

        def start_in(k_, slot):
            b, p, t, r0 = piece(k_)
            d = pltpu.make_async_copy(
                in_hbm.at[b, t, pl.ds(r0, HH)], buf.at[slot], sem_in
            )
            d.start()
            return d

        def start_out(k_, slot):
            b, p, t, r0 = piece(k_)
            d = pltpu.make_async_copy(
                buf.at[slot], out_hbm.at[b, p, pl.ds(r0, HH)], sem_out
            )
            d.start()
            return d

        d_in = start_in(0, 0)
        d_out_prev = None
        for k_ in range(per_w):
            d_in.wait()
            if d_out_prev is not None:
                d_out_prev.wait()
            if k_ + 1 < per_w:
                d_in = start_in(k_ + 1, (k_ + 1) % 2)
            d_out_prev = start_out(k_, k_ % 2)
        d_out_prev.wait()

    return k(frames)


def kernel(frames):
    slow = _slow_gather(frames)
    fast = _fast_copy(frames)
    return (slow, fast)

# --- scband reference (transcript-rebuilt; emitter-appended) ---
"""Pipeline reference for scband-pack-pathway-71579924955769 (READ-ONLY COPY).

The authoritative reference and input builder live on the scoring server;
editing this copy changes nothing except your own understanding.
"""

import jax, jax.numpy as jnp
import numpy as np

def setup_inputs(seed: int = 0) -> dict:
    key = jax.random.key(seed)
    frames = jax.random.normal(key, (3, 64, 256, 256), dtype=jnp.float32)
    return {"frames": frames}

def reference(frames):
    # PackPathway: fast pathway = all frames; slow pathway = temporal subsample by alpha=4
    T = frames.shape[1]
    # torch.linspace(0, T-1, T//4).long() -> truncation toward zero
    idx = jnp.linspace(0.0, T - 1, T // 4)
    idx = idx.astype(jnp.int32)  # truncation, matches .long() on non-negative values
    slow_pathway = jnp.take(frames, idx, axis=1)
    fast_pathway = frames
    return (slow_pathway, fast_pathway)

if __name__ == "__main__":
    import jax
    _d = setup_inputs()
    print(jax.jit(kernel)(*tuple(_d.values())))

</pallas_src>

<mosaic_0001>
#map = affine_map<(d0, d1) -> (0, 0, 0, 0)>
module attributes {stable_mosaic.version = 14 : i64} {
  func.func @k(%arg0: i32, %arg1: i32, %arg2: memref<3x64x256x256xf32, #tpu.memory_space<hbm>>, %arg3: memref<3x16x256x256xf32, #tpu.memory_space<hbm>>, %arg4: memref<2x128x256xf32, #tpu.memory_space<vmem>>, %arg5: memref<!tpu.dma_semaphore, #tpu.memory_space<semaphore_mem>>, %arg6: memref<!tpu.dma_semaphore, #tpu.memory_space<semaphore_mem>>) attributes {dimension_semantics = [#tpu.dimension_semantics<core_parallel>, #tpu.dimension_semantics<subcore_parallel>], iteration_bounds = array<i64: 2, 16>, scalar_prefetch = 0 : i64, scratch_operands = 3 : i64, tpu.core_type = #tpu.core_type<sc_vector_subcore>, window_params = [{transform_indices = #map}, {transform_indices = #map}]} {
    %mul3A = arith.constant 2 : i32
    %mul3A_0 = arith.muli %arg1, %mul3A : i32
    %add3A = arith.addi %mul3A_0, %arg0 : i32
    %mul3A_1 = arith.constant 3 : i32
    %mul3A_2 = arith.muli %add3A, %mul3A_1 : i32
    %add3A_3 = arith.constant 0 : i32
    %add3A_4 = arith.addi %mul3A_2, %add3A_3 : i32
    %jit3A = arith.constant 2 : i32
    %div3A = arith.divsi %add3A_4, %jit3A : i32
    %sign3A = arith.constant 0 : i32
    %sign3A_5 = arith.cmpi sgt, %add3A_4, %sign3A : i32
    %sign3A_6 = arith.extui %sign3A_5 : i1 to i32
    %sign3A_7 = arith.constant 0 : i32
    %sign3A_8 = arith.cmpi slt, %add3A_4, %sign3A_7 : i32
    %sign3A_9 = arith.extui %sign3A_8 : i1 to i32
    %sign3A_10 = arith.subi %sign3A_6, %sign3A_9 : i32
    %sign3A_11 = arith.constant 0 : i32
    %sign3A_12 = arith.cmpi sgt, %jit3A, %sign3A_11 : i32
    %sign3A_13 = arith.extui %sign3A_12 : i1 to i32
    %sign3A_14 = arith.constant 0 : i32
    %sign3A_15 = arith.cmpi slt, %jit3A, %sign3A_14 : i32
    %sign3A_16 = arith.extui %sign3A_15 : i1 to i32
    %sign3A_17 = arith.subi %sign3A_13, %sign3A_16 : i32
    %ne3A = arith.cmpi ne, %sign3A_10, %sign3A_17 : i32
    %rem3A = arith.remsi %add3A_4, %jit3A : i32
    %ne3A_18 = arith.constant 0 : i32
    %ne3A_19 = arith.cmpi ne, %rem3A, %ne3A_18 : i32
    %and3A = arith.andi %ne3A, %ne3A_19 : i1
    %sub3A = arith.constant 1 : i32
    %sub3A_20 = arith.subi %div3A, %sub3A : i32
    %select_n3A = arith.select %and3A, %sub3A_20, %div3A : i32
    %jit3A_21 = arith.constant 2 : i32
    %eq3A = arith.constant 0 : i32
    %eq3A_22 = arith.cmpi eq, %jit3A_21, %eq3A : i32
    %jit3A_23 = arith.constant 1 : i32
    %select_n3A_24 = arith.select %eq3A_22, %jit3A_23, %jit3A_21 : i32
    %rem3A_25 = arith.remsi %add3A_4, %select_n3A_24 : i32
    %ne3A_26 = arith.constant 0 : i32
    %ne3A_27 = arith.cmpi ne, %rem3A_25, %ne3A_26 : i32
    %lt3A = arith.constant 0 : i32
    %lt3A_28 = arith.cmpi slt, %rem3A_25, %lt3A : i32
    %lt3A_29 = arith.constant 0 : i32
    %lt3A_30 = arith.cmpi slt, %select_n3A_24, %lt3A_29 : i32
    %ne3A_31 = arith.xori %lt3A_28, %lt3A_30 : i1
    %and3A_32 = arith.andi %ne3A_31, %ne3A_27 : i1
    %add3A_33 = arith.addi %rem3A_25, %select_n3A_24 : i32
    %select_n3A_34 = arith.select %and3A_32, %add3A_33, %rem3A_25 : i32
    %jit3A_35 = arith.constant 16 : i32
    %div3A_36 = arith.divsi %select_n3A, %jit3A_35 : i32
    %sign3A_37 = arith.constant 0 : i32
    %sign3A_38 = arith.cmpi sgt, %select_n3A, %sign3A_37 : i32
    %sign3A_39 = arith.extui %sign3A_38 : i1 to i32
    %sign3A_40 = arith.constant 0 : i32
    %sign3A_41 = arith.cmpi slt, %select_n3A, %sign3A_40 : i32
    %sign3A_42 = arith.extui %sign3A_41 : i1 to i32
    %sign3A_43 = arith.subi %sign3A_39, %sign3A_42 : i32
    %sign3A_44 = arith.constant 0 : i32
    %sign3A_45 = arith.cmpi sgt, %jit3A_35, %sign3A_44 : i32
    %sign3A_46 = arith.extui %sign3A_45 : i1 to i32
    %sign3A_47 = arith.constant 0 : i32
    %sign3A_48 = arith.cmpi slt, %jit3A_35, %sign3A_47 : i32
    %sign3A_49 = arith.extui %sign3A_48 : i1 to i32
    %sign3A_50 = arith.subi %sign3A_46, %sign3A_49 : i32
    %ne3A_51 = arith.cmpi ne, %sign3A_43, %sign3A_50 : i32
    %rem3A_52 = arith.remsi %select_n3A, %jit3A_35 : i32
    %ne3A_53 = arith.constant 0 : i32
    %ne3A_54 = arith.cmpi ne, %rem3A_52, %ne3A_53 : i32
    %and3A_55 = arith.andi %ne3A_51, %ne3A_54 : i1
    %sub3A_56 = arith.constant 1 : i32
    %sub3A_57 = arith.subi %div3A_36, %sub3A_56 : i32
    %select_n3A_58 = arith.select %and3A_55, %sub3A_57, %div3A_36 : i32
    %jit3A_59 = arith.constant 16 : i32
    %eq3A_60 = arith.constant 0 : i32
    %eq3A_61 = arith.cmpi eq, %jit3A_59, %eq3A_60 : i32
    %jit3A_62 = arith.constant 1 : i32
    %select_n3A_63 = arith.select %eq3A_61, %jit3A_62, %jit3A_59 : i32
    %rem3A_64 = arith.remsi %select_n3A, %select_n3A_63 : i32
    %ne3A_65 = arith.constant 0 : i32
    %ne3A_66 = arith.cmpi ne, %rem3A_64, %ne3A_65 : i32
    %lt3A_67 = arith.constant 0 : i32
    %lt3A_68 = arith.cmpi slt, %rem3A_64, %lt3A_67 : i32
    %lt3A_69 = arith.constant 0 : i32
    %lt3A_70 = arith.cmpi slt, %select_n3A_63, %lt3A_69 : i32
    %ne3A_71 = arith.xori %lt3A_68, %lt3A_70 : i1
    %and3A_72 = arith.andi %ne3A_71, %ne3A_66 : i1
    %add3A_73 = arith.addi %rem3A_64, %select_n3A_63 : i32
    %select_n3A_74 = arith.select %and3A_72, %add3A_73, %rem3A_64 : i32
    %mul3A_75 = arith.constant 21 : i32
    %mul3A_76 = arith.muli %mul3A_75, %select_n3A_74 : i32
    %jit3A_77 = arith.constant 5 : i32
    %div3A_78 = arith.divsi %mul3A_76, %jit3A_77 : i32
    %sign3A_79 = arith.constant 0 : i32
    %sign3A_80 = arith.cmpi sgt, %mul3A_76, %sign3A_79 : i32
    %sign3A_81 = arith.extui %sign3A_80 : i1 to i32
    %sign3A_82 = arith.constant 0 : i32
    %sign3A_83 = arith.cmpi slt, %mul3A_76, %sign3A_82 : i32
    %sign3A_84 = arith.extui %sign3A_83 : i1 to i32
    %sign3A_85 = arith.subi %sign3A_81, %sign3A_84 : i32
    %sign3A_86 = arith.constant 0 : i32
    %sign3A_87 = arith.cmpi sgt, %jit3A_77, %sign3A_86 : i32
    %sign3A_88 = arith.extui %sign3A_87 : i1 to i32
    %sign3A_89 = arith.constant 0 : i32
    %sign3A_90 = arith.cmpi slt, %jit3A_77, %sign3A_89 : i32
    %sign3A_91 = arith.extui %sign3A_90 : i1 to i32
    %sign3A_92 = arith.subi %sign3A_88, %sign3A_91 : i32
    %ne3A_93 = arith.cmpi ne, %sign3A_85, %sign3A_92 : i32
    %rem3A_94 = arith.remsi %mul3A_76, %jit3A_77 : i32
    %ne3A_95 = arith.constant 0 : i32
    %ne3A_96 = arith.cmpi ne, %rem3A_94, %ne3A_95 : i32
    %and3A_97 = arith.andi %ne3A_93, %ne3A_96 : i1
    %sub3A_98 = arith.constant 1 : i32
    %sub3A_99 = arith.subi %div3A_78, %sub3A_98 : i32
    %select_n3A_100 = arith.select %and3A_97, %sub3A_99, %div3A_78 : i32
    %mul3A_101 = arith.constant 128 : i32
    %mul3A_102 = arith.muli %select_n3A_34, %mul3A_101 : i32
    %dma_start3A = arith.constant 0 : i32
    %dma_start3A_103 = arith.constant 0 : i32
    %dma_start3A_104 = arith.constant 0 : i32
    %dma_start3A_105 = tpu.memref_slice %arg4[%dma_start3A, %dma_start3A_103, %dma_start3A_104] : memref<2x128x256xf32, #tpu.memory_space<vmem>> -> memref<1x128x256xf32, #tpu.memory_space<vmem>>
    %dma_start3A_106 = tpu.memref_squeeze %dma_start3A_105 : memref<1x128x256xf32, #tpu.memory_space<vmem>> -> memref<128x256xf32, #tpu.memory_space<vmem>>
    %dma_start3A_107 = arith.constant 0 : i32
    %dma_start3A_108 = tpu.memref_slice %arg2[%select_n3A_58, %select_n3A_100, %mul3A_102, %dma_start3A_107] : memref<3x64x256x256xf32, #tpu.memory_space<hbm>> -> memref<1x1x128x256xf32, #tpu.memory_space<hbm>>
    %dma_start3A_109 = tpu.memref_squeeze %dma_start3A_108 : memref<1x1x128x256xf32, #tpu.memory_space<hbm>> -> memref<128x256xf32, #tpu.memory_space<hbm>>
    %dma_start3A_110 = arith.constant 0 : i32
    %dma_start3A_111 = arith.constant 0 : i32
    %dma_start3A_112 = tpu.memref_slice %arg4[%dma_start3A, %dma_start3A_110, %dma_start3A_111] : memref<2x128x256xf32, #tpu.memory_space<vmem>> -> memref<1x128x256xf32, #tpu.memory_space<vmem>>
    %dma_start3A_113 = tpu.memref_squeeze %dma_start3A_112 : memref<1x128x256xf32, #tpu.memory_space<vmem>> -> memref<128x256xf32, #tpu.memory_space<vmem>>
    %dma_start3A_114 = arith.constant 0 : i32
    %dma_start3A_115 = tpu.memref_slice %arg2[%select_n3A_58, %select_n3A_100, %mul3A_102, %dma_start3A_114] : memref<3x64x256x256xf32, #tpu.memory_space<hbm>> -> memref<1x1x128x256xf32, #tpu.memory_space<hbm>>
    %dma_start3A_116 = tpu.memref_squeeze %dma_start3A_115 : memref<1x1x128x256xf32, #tpu.memory_space<hbm>> -> memref<128x256xf32, #tpu.memory_space<hbm>>
    tpu.enqueue_dma source(%dma_start3A_116 : memref<128x256xf32, #tpu.memory_space<hbm>>) target(%dma_start3A_113 : memref<128x256xf32, #tpu.memory_space<vmem>>) target_semaphore(%arg5 : memref<!tpu.dma_semaphore, #tpu.memory_space<semaphore_mem>>)
    %dma_wait3A = arith.constant 0 : i32
    %dma_wait3A_117 = arith.constant 0 : i32
    %dma_wait3A_118 = arith.constant 0 : i32
    %dma_wait3A_119 = tpu.memref_slice %arg4[%dma_wait3A, %dma_wait3A_117, %dma_wait3A_118] : memref<2x128x256xf32, #tpu.memory_space<vmem>> -> memref<1x128x256xf32, #tpu.memory_space<vmem>>
    %dma_wait3A_120 = tpu.memref_squeeze %dma_wait3A_119 : memref<1x128x256xf32, #tpu.memory_space<vmem>> -> memref<128x256xf32, #tpu.memory_space<vmem>>
    %dma_wait3A_121 = arith.constant 0 : i32
    %dma_wait3A_122 = tpu.memref_slice %arg2[%select_n3A_58, %select_n3A_100, %mul3A_102, %dma_wait3A_121] : memref<3x64x256x256xf32, #tpu.memory_space<hbm>> -> memref<1x1x128x256xf32, #tpu.memory_space<hbm>>
    %dma_wait3A_123 = tpu.memref_squeeze %dma_wait3A_122 : memref<1x1x128x256xf32, #tpu.memory_space<hbm>> -> memref<128x256xf32, #tpu.memory_space<hbm>>
    %dma_wait3A_124 = arith.constant 0 : i32
    %dma_wait3A_125 = arith.constant 0 : i32
    %dma_wait3A_126 = tpu.memref_slice %arg4[%dma_wait3A, %dma_wait3A_124, %dma_wait3A_125] : memref<2x128x256xf32, #tpu.memory_space<vmem>> -> memref<1x128x256xf32, #tpu.memory_space<vmem>>
    %dma_wait3A_127 = tpu.memref_squeeze %dma_wait3A_126 : memref<1x128x256xf32, #tpu.memory_space<vmem>> -> memref<128x256xf32, #tpu.memory_space<vmem>>
    %dma_wait3A_128 = arith.constant 0 : i32
    %dma_wait3A_129 = tpu.memref_slice %arg2[%select_n3A_58, %select_n3A_100, %mul3A_102, %dma_wait3A_128] : memref<3x64x256x256xf32, #tpu.memory_space<hbm>> -> memref<1x1x128x256xf32, #tpu.memory_space<hbm>>
    %dma_wait3A_130 = tpu.memref_squeeze %dma_wait3A_129 : memref<1x1x128x256xf32, #tpu.memory_space<hbm>> -> memref<128x256xf32, #tpu.memory_space<hbm>>
    tpu.wait_dma2 semaphore(%arg5 : memref<!tpu.dma_semaphore, #tpu.memory_space<semaphore_mem>>) src(%dma_wait3A_130 : memref<128x256xf32, #tpu.memory_space<hbm>>) dst(%dma_wait3A_127 : memref<128x256xf32, #tpu.memory_space<vmem>>)
    %mul3A_131 = arith.constant 3 : i32
    %mul3A_132 = arith.muli %add3A, %mul3A_131 : i32
    %add3A_133 = arith.constant 1 : i32
    %add3A_134 = arith.addi %mul3A_132, %add3A_133 : i32
    %jit3A_135 = arith.constant 2 : i32
    %div3A_136 = arith.divsi %add3A_134, %jit3A_135 : i32
    %sign3A_137 = arith.constant 0 : i32
    %sign3A_138 = arith.cmpi sgt, %add3A_134, %sign3A_137 : i32
    %sign3A_139 = arith.extui %sign3A_138 : i1 to i32
    %sign3A_140 = arith.constant 0 : i32
    %sign3A_141 = arith.cmpi slt, %add3A_134, %sign3A_140 : i32
    %sign3A_142 = arith.extui %sign3A_141 : i1 to i32
    %sign3A_143 = arith.subi %sign3A_139, %sign3A_142 : i32
    %sign3A_144 = arith.constant 0 : i32
    %sign3A_145 = arith.cmpi sgt, %jit3A_135, %sign3A_144 : i32
    %sign3A_146 = arith.extui %sign3A_145 : i1 to i32
    %sign3A_147 = arith.constant 0 : i32
    %sign3A_148 = arith.cmpi slt, %jit3A_135, %sign3A_147 : i32
    %sign3A_149 = arith.extui %sign3A_148 : i1 to i32
    %sign3A_150 = arith.subi %sign3A_146, %sign3A_149 : i32
    %ne3A_151 = arith.cmpi ne, %sign3A_143, %sign3A_150 : i32
    %rem3A_152 = arith.remsi %add3A_134, %jit3A_135 : i32
    %ne3A_153 = arith.constant 0 : i32
    %ne3A_154 = arith.cmpi ne, %rem3A_152, %ne3A_153 : i32
    %and3A_155 = arith.andi %ne3A_151, %ne3A_154 : i1
    %sub3A_156 = arith.constant 1 : i32
    %sub3A_157 = arith.subi %div3A_136, %sub3A_156 : i32
    %select_n3A_158 = arith.select %and3A_155, %sub3A_157, %div3A_136 : i32
    %jit3A_159 = arith.constant 2 : i32
    %eq3A_160 = arith.constant 0 : i32
    %eq3A_161 = arith.cmpi eq, %jit3A_159, %eq3A_160 : i32
    %jit3A_162 = arith.constant 1 : i32
    %select_n3A_163 = arith.select %eq3A_161, %jit3A_162, %jit3A_159 : i32
    %rem3A_164 = arith.remsi %add3A_134, %select_n3A_163 : i32
    %ne3A_165 = arith.constant 0 : i32
    %ne3A_166 = arith.cmpi ne, %rem3A_164, %ne3A_165 : i32
    %lt3A_167 = arith.constant 0 : i32
    %lt3A_168 = arith.cmpi slt, %rem3A_164, %lt3A_167 : i32
    %lt3A_169 = arith.constant 0 : i32
    %lt3A_170 = arith.cmpi slt, %select_n3A_163, %lt3A_169 : i32
    %ne3A_171 = arith.xori %lt3A_168, %lt3A_170 : i1
    %and3A_172 = arith.andi %ne3A_171, %ne3A_166 : i1
    %add3A_173 = arith.addi %rem3A_164, %select_n3A_163 : i32
    %select_n3A_174 = arith.select %and3A_172, %add3A_173, %rem3A_164 : i32
    %jit3A_175 = arith.constant 16 : i32
    %div3A_176 = arith.divsi %select_n3A_158, %jit3A_175 : i32
    %sign3A_177 = arith.constant 0 : i32
    %sign3A_178 = arith.cmpi sgt, %select_n3A_158, %sign3A_177 : i32
    %sign3A_179 = arith.extui %sign3A_178 : i1 to i32
    %sign3A_180 = arith.constant 0 : i32
    %sign3A_181 = arith.cmpi slt, %select_n3A_158, %sign3A_180 : i32
    %sign3A_182 = arith.extui %sign3A_181 : i1 to i32
    %sign3A_183 = arith.subi %sign3A_179, %sign3A_182 : i32
    %sign3A_184 = arith.constant 0 : i32
    %sign3A_185 = arith.cmpi sgt, %jit3A_175, %sign3A_184 : i32
    %sign3A_186 = arith.extui %sign3A_185 : i1 to i32
    %sign3A_187 = arith.constant 0 : i32
    %sign3A_188 = arith.cmpi slt, %jit3A_175, %sign3A_187 : i32
    %sign3A_189 = arith.extui %sign3A_188 : i1 to i32
    %sign3A_190 = arith.subi %sign3A_186, %sign3A_189 : i32
    %ne3A_191 = arith.cmpi ne, %sign3A_183, %sign3A_190 : i32
    %rem3A_192 = arith.remsi %select_n3A_158, %jit3A_175 : i32
    %ne3A_193 = arith.constant 0 : i32
    %ne3A_194 = arith.cmpi ne, %rem3A_192, %ne3A_193 : i32
    %and3A_195 = arith.andi %ne3A_191, %ne3A_194 : i1
    %sub3A_196 = arith.constant 1 : i32
    %sub3A_197 = arith.subi %div3A_176, %sub3A_196 : i32
    %select_n3A_198 = arith.select %and3A_195, %sub3A_197, %div3A_176 : i32
    %jit3A_199 = arith.constant 16 : i32
    %eq3A_200 = arith.constant 0 : i32
    %eq3A_201 = arith.cmpi eq, %jit3A_199, %eq3A_200 : i32
    %jit3A_202 = arith.constant 1 : i32
    %select_n3A_203 = arith.select %eq3A_201, %jit3A_202, %jit3A_199 : i32
    %rem3A_204 = arith.remsi %select_n3A_158, %select_n3A_203 : i32
    %ne3A_205 = arith.constant 0 : i32
    %ne3A_206 = arith.cmpi ne, %rem3A_204, %ne3A_205 : i32
    %lt3A_207 = arith.constant 0 : i32
    %lt3A_208 = arith.cmpi slt, %rem3A_204, %lt3A_207 : i32
    %lt3A_209 = arith.constant 0 : i32
    %lt3A_210 = arith.cmpi slt, %select_n3A_203, %lt3A_209 : i32
    %ne3A_211 = arith.xori %lt3A_208, %lt3A_210 : i1
    %and3A_212 = arith.andi %ne3A_211, %ne3A_206 : i1
    %add3A_213 = arith.addi %rem3A_204, %select_n3A_203 : i32
    %select_n3A_214 = arith.select %and3A_212, %add3A_213, %rem3A_204 : i32
    %mul3A_215 = arith.constant 21 : i32
    %mul3A_216 = arith.muli %mul3A_215, %select_n3A_214 : i32
    %jit3A_217 = arith.constant 5 : i32
    %div3A_218 = arith.divsi %mul3A_216, %jit3A_217 : i32
    %sign3A_219 = arith.constant 0 : i32
    %sign3A_220 = arith.cmpi sgt, %mul3A_216, %sign3A_219 : i32
    %sign3A_221 = arith.extui %sign3A_220 : i1 to i32
    %sign3A_222 = arith.constant 0 : i32
    %sign3A_223 = arith.cmpi slt, %mul3A_216, %sign3A_222 : i32
    %sign3A_224 = arith.extui %sign3A_223 : i1 to i32
    %sign3A_225 = arith.subi %sign3A_221, %sign3A_224 : i32
    %sign3A_226 = arith.constant 0 : i32
    %sign3A_227 = arith.cmpi sgt, %jit3A_217, %sign3A_226 : i32
    %sign3A_228 = arith.extui %sign3A_227 : i1 to i32
    %sign3A_229 = arith.constant 0 : i32
    %sign3A_230 = arith.cmpi slt, %jit3A_217, %sign3A_229 : i32
    %sign3A_231 = arith.extui %sign3A_230 : i1 to i32
    %sign3A_232 = arith.subi %sign3A_228, %sign3A_231 : i32
    %ne3A_233 = arith.cmpi ne, %sign3A_225, %sign3A_232 : i32
    %rem3A_234 = arith.remsi %mul3A_216, %jit3A_217 : i32
    %ne3A_235 = arith.constant 0 : i32
    %ne3A_236 = arith.cmpi ne, %rem3A_234, %ne3A_235 : i32
    %and3A_237 = arith.andi %ne3A_233, %ne3A_236 : i1
    %sub3A_238 = arith.constant 1 : i32
    %sub3A_239 = arith.subi %div3A_218, %sub3A_238 : i32
    %select_n3A_240 = arith.select %and3A_237, %sub3A_239, %div3A_218 : i32
    %mul3A_241 = arith.constant 128 : i32
    %mul3A_242 = arith.muli %select_n3A_174, %mul3A_241 : i32
    %dma_start3A_243 = arith.constant 1 : i32
    %dma_start3A_244 = arith.constant 0 : i32
    %dma_start3A_245 = arith.constant 0 : i32
    %dma_start3A_246 = tpu.memref_slice %arg4[%dma_start3A_243, %dma_start3A_244, %dma_start3A_245] : memref<2x128x256xf32, #tpu.memory_space<vmem>> -> memref<1x128x256xf32, #tpu.memory_space<vmem>>
    %dma_start3A_247 = tpu.memref_squeeze %dma_start3A_246 : memref<1x128x256xf32, #tpu.memory_space<vmem>> -> memref<128x256xf32, #tpu.memory_space<vmem>>
    %dma_start3A_248 = arith.constant 0 : i32
    %dma_start3A_249 = tpu.memref_slice %arg2[%select_n3A_198, %select_n3A_240, %mul3A_242, %dma_start3A_248] : memref<3x64x256x256xf32, #tpu.memory_space<hbm>> -> memref<1x1x128x256xf32, #tpu.memory_space<hbm>>
    %dma_start3A_250 = tpu.memref_squeeze %dma_start3A_249 : memref<1x1x128x256xf32, #tpu.memory_space<hbm>> -> memref<128x256xf32, #tpu.memory_space<hbm>>
    %dma_start3A_251 = arith.constant 0 : i32
    %dma_start3A_252 = arith.constant 0 : i32
    %dma_start3A_253 = tpu.memref_slice %arg4[%dma_start3A_243, %dma_start3A_251, %dma_start3A_252] : memref<2x128x256xf32, #tpu.memory_space<vmem>> -> memref<1x128x256xf32, #tpu.memory_space<vmem>>
    %dma_start3A_254 = tpu.memref_squeeze %dma_start3A_253 : memref<1x128x256xf32, #tpu.memory_space<vmem>> -> memref<128x256xf32, #tpu.memory_space<vmem>>
    %dma_start3A_255 = arith.constant 0 : i32
    %dma_start3A_256 = tpu.memref_slice %arg2[%select_n3A_198, %select_n3A_240, %mul3A_242, %dma_start3A_255] : memref<3x64x256x256xf32, #tpu.memory_space<hbm>> -> memref<1x1x128x256xf32, #tpu.memory_space<hbm>>
    %dma_start3A_257 = tpu.memref_squeeze %dma_start3A_256 : memref<1x1x128x256xf32, #tpu.memory_space<hbm>> -> memref<128x256xf32, #tpu.memory_space<hbm>>
    tpu.enqueue_dma source(%dma_start3A_257 : memref<128x256xf32, #tpu.memory_space<hbm>>) target(%dma_start3A_254 : memref<128x256xf32, #tpu.memory_space<vmem>>) target_semaphore(%arg5 : memref<!tpu.dma_semaphore, #tpu.memory_space<semaphore_mem>>)
    %mul3A_258 = arith.constant 3 : i32
    %mul3A_259 = arith.muli %add3A, %mul3A_258 : i32
    %add3A_260 = arith.constant 0 : i32
    %add3A_261 = arith.addi %mul3A_259, %add3A_260 : i32
    %jit3A_262 = arith.constant 2 : i32
    %div3A_263 = arith.divsi %add3A_261, %jit3A_262 : i32
    %sign3A_264 = arith.constant 0 : i32
    %sign3A_265 = arith.cmpi sgt, %add3A_261, %sign3A_264 : i32
    %sign3A_266 = arith.extui %sign3A_265 : i1 to i32
    %sign3A_267 = arith.constant 0 : i32
    %sign3A_268 = arith.cmpi slt, %add3A_261, %sign3A_267 : i32
    %sign3A_269 = arith.extui %sign3A_268 : i1 to i32
    %sign3A_270 = arith.subi %sign3A_266, %sign3A_269 : i32
    %sign3A_271 = arith.constant 0 : i32
    %sign3A_272 = arith.cmpi sgt, %jit3A_262, %sign3A_271 : i32
    %sign3A_273 = arith.extui %sign3A_272 : i1 to i32
    %sign3A_274 = arith.constant 0 : i32
    %sign3A_275 = arith.cmpi slt, %jit3A_262, %sign3A_274 : i32
    %sign3A_276 = arith.extui %sign3A_275 : i1 to i32
    %sign3A_277 = arith.subi %sign3A_273, %sign3A_276 : i32
    %ne3A_278 = arith.cmpi ne, %sign3A_270, %sign3A_277 : i32
    %rem3A_279 = arith.remsi %add3A_261, %jit3A_262 : i32
    %ne3A_280 = arith.constant 0 : i32
    %ne3A_281 = arith.cmpi ne, %rem3A_279, %ne3A_280 : i32
    %and3A_282 = arith.andi %ne3A_278, %ne3A_281 : i1
    %sub3A_283 = arith.constant 1 : i32
    %sub3A_284 = arith.subi %div3A_263, %sub3A_283 : i32
    %select_n3A_285 = arith.select %and3A_282, %sub3A_284, %div3A_263 : i32
    %jit3A_286 = arith.constant 2 : i32
    %eq3A_287 = arith.constant 0 : i32
    %eq3A_288 = arith.cmpi eq, %jit3A_286, %eq3A_287 : i32
    %jit3A_289 = arith.constant 1 : i32
    %select_n3A_290 = arith.select %eq3A_288, %jit3A_289, %jit3A_286 : i32
    %rem3A_291 = arith.remsi %add3A_261, %select_n3A_290 : i32
    %ne3A_292 = arith.constant 0 : i32
    %ne3A_293 = arith.cmpi ne, %rem3A_291, %ne3A_292 : i32
    %lt3A_294 = arith.constant 0 : i32
    %lt3A_295 = arith.cmpi slt, %rem3A_291, %lt3A_294 : i32
    %lt3A_296 = arith.constant 0 : i32
    %lt3A_297 = arith.cmpi slt, %select_n3A_290, %lt3A_296 : i32
    %ne3A_298 = arith.xori %lt3A_295, %lt3A_297 : i1
    %and3A_299 = arith.andi %ne3A_298, %ne3A_293 : i1
    %add3A_300 = arith.addi %rem3A_291, %select_n3A_290 : i32
    %select_n3A_301 = arith.select %and3A_299, %add3A_300, %rem3A_291 : i32
    %jit3A_302 = arith.constant 16 : i32
    %div3A_303 = arith.divsi %select_n3A_285, %jit3A_302 : i32
    %sign3A_304 = arith.constant 0 : i32
    %sign3A_305 = arith.cmpi sgt, %select_n3A_285, %sign3A_304 : i32
    %sign3A_306 = arith.extui %sign3A_305 : i1 to i32
    %sign3A_307 = arith.constant 0 : i32
    %sign3A_308 = arith.cmpi slt, %select_n3A_285, %sign3A_307 : i32
    %sign3A_309 = arith.extui %sign3A_308 : i1 to i32
    %sign3A_310 = arith.subi %sign3A_306, %sign3A_309 : i32
    %sign3A_311 = arith.constant 0 : i32
    %sign3A_312 = arith.cmpi sgt, %jit3A_302, %sign3A_311 : i32
    %sign3A_313 = arith.extui %sign3A_312 : i1 to i32
    %sign3A_314 = arith.constant 0 : i32
    %sign3A_315 = arith.cmpi slt, %jit3A_302, %sign3A_314 : i32
    %sign3A_316 = arith.extui %sign3A_315 : i1 to i32
    %sign3A_317 = arith.subi %sign3A_313, %sign3A_316 : i32
    %ne3A_318 = arith.cmpi ne, %sign3A_310, %sign3A_317 : i32
    %rem3A_319 = arith.remsi %select_n3A_285, %jit3A_302 : i32
    %ne3A_320 = arith.constant 0 : i32
    %ne3A_321 = arith.cmpi ne, %rem3A_319, %ne3A_320 : i32
    %and3A_322 = arith.andi %ne3A_318, %ne3A_321 : i1
    %sub3A_323 = arith.constant 1 : i32
    %sub3A_324 = arith.subi %div3A_303, %sub3A_323 : i32
    %select_n3A_325 = arith.select %and3A_322, %sub3A_324, %div3A_303 : i32
    %jit3A_326 = arith.constant 16 : i32
    %eq3A_327 = arith.constant 0 : i32
    %eq3A_328 = arith.cmpi eq, %jit3A_326, %eq3A_327 : i32
    %jit3A_329 = arith.constant 1 : i32
    %select_n3A_330 = arith.select %eq3A_328, %jit3A_329, %jit3A_326 : i32
    %rem3A_331 = arith.remsi %select_n3A_285, %select_n3A_330 : i32
    %ne3A_332 = arith.constant 0 : i32
    %ne3A_333 = arith.cmpi ne, %rem3A_331, %ne3A_332 : i32
    %lt3A_334 = arith.constant 0 : i32
    %lt3A_335 = arith.cmpi slt, %rem3A_331, %lt3A_334 : i32
    %lt3A_336 = arith.constant 0 : i32
    %lt3A_337 = arith.cmpi slt, %select_n3A_330, %lt3A_336 : i32
    %ne3A_338 = arith.xori %lt3A_335, %lt3A_337 : i1
    %and3A_339 = arith.andi %ne3A_338, %ne3A_333 : i1
    %add3A_340 = arith.addi %rem3A_331, %select_n3A_330 : i32
    %select_n3A_341 = arith.select %and3A_339, %add3A_340, %rem3A_331 : i32
    %mul3A_342 = arith.constant 21 : i32
    %mul3A_343 = arith.muli %mul3A_342, %select_n3A_341 : i32
    %jit3A_344 = arith.constant 5 : i32
    %div3A_345 = arith.divsi %mul3A_343, %jit3A_344 : i32
    %sign3A_346 = arith.constant 0 : i32
    %sign3A_347 = arith.cmpi sgt, %mul3A_343, %sign3A_346 : i32
    %sign3A_348 = arith.extui %sign3A_347 : i1 to i32
    %sign3A_349 = arith.constant 0 : i32
    %sign3A_350 = arith.cmpi slt, %mul3A_343, %sign3A_349 : i32
    %sign3A_351 = arith.extui %sign3A_350 : i1 to i32
    %sign3A_352 = arith.subi %sign3A_348, %sign3A_351 : i32
    %sign3A_353 = arith.constant 0 : i32
    %sign3A_354 = arith.cmpi sgt, %jit3A_344, %sign3A_353 : i32
    %sign3A_355 = arith.extui %sign3A_354 : i1 to i32
    %sign3A_356 = arith.constant 0 : i32
    %sign3A_357 = arith.cmpi slt, %jit3A_344, %sign3A_356 : i32
    %sign3A_358 = arith.extui %sign3A_357 : i1 to i32
    %sign3A_359 = arith.subi %sign3A_355, %sign3A_358 : i32
    %ne3A_360 = arith.cmpi ne, %sign3A_352, %sign3A_359 : i32
    %rem3A_361 = arith.remsi %mul3A_343, %jit3A_344 : i32
    %ne3A_362 = arith.constant 0 : i32
    %ne3A_363 = arith.cmpi ne, %rem3A_361, %ne3A_362 : i32
    %and3A_364 = arith.andi %ne3A_360, %ne3A_363 : i1
    %sub3A_365 = arith.constant 1 : i32
    %sub3A_366 = arith.subi %div3A_345, %sub3A_365 : i32
    %select_n3A_367 = arith.select %and3A_364, %sub3A_366, %div3A_345 : i32
    %mul3A_368 = arith.constant 128 : i32
    %mul3A_369 = arith.muli %select_n3A_301, %mul3A_368 : i32
    %dma_start3A_370 = arith.constant 0 : i32
    %dma_start3A_371 = arith.constant 0 : i32
    %dma_start3A_372 = arith.constant 0 : i32
    %dma_start3A_373 = tpu.memref_slice %arg4[%dma_start3A_370, %dma_start3A_371, %dma_start3A_372] : memref<2x128x256xf32, #tpu.memory_space<vmem>> -> memref<1x128x256xf32, #tpu.memory_space<vmem>>
    %dma_start3A_374 = tpu.memref_squeeze %dma_start3A_373 : memref<1x128x256xf32, #tpu.memory_space<vmem>> -> memref<128x256xf32, #tpu.memory_space<vmem>>
    %dma_start3A_375 = arith.constant 0 : i32
    %dma_start3A_376 = tpu.memref_slice %arg3[%select_n3A_325, %select_n3A_341, %mul3A_369, %dma_start3A_375] : memref<3x16x256x256xf32, #tpu.memory_space<hbm>> -> memref<1x1x128x256xf32, #tpu.memory_space<hbm>>
    %dma_start3A_377 = tpu.memref_squeeze %dma_start3A_376 : memref<1x1x128x256xf32, #tpu.memory_space<hbm>> -> memref<128x256xf32, #tpu.memory_space<hbm>>
    %dma_start3A_378 = arith.constant 0 : i32
    %dma_start3A_379 = tpu.memref_slice %arg3[%select_n3A_325, %select_n3A_341, %mul3A_369, %dma_start3A_378] : memref<3x16x256x256xf32, #tpu.memory_space<hbm>> -> memref<1x1x128x256xf32, #tpu.memory_space<hbm>>
    %dma_start3A_380 = tpu.memref_squeeze %dma_start3A_379 : memref<1x1x128x256xf32, #tpu.memory_space<hbm>> -> memref<128x256xf32, #tpu.memory_space<hbm>>
    %dma_start3A_381 = arith.constant 0 : i32
    %dma_start3A_382 = arith.constant 0 : i32
    %dma_start3A_383 = tpu.memref_slice %arg4[%dma_start3A_370, %dma_start3A_381, %dma_start3A_382] : memref<2x128x256xf32, #tpu.memory_space<vmem>> -> memref<1x128x256xf32, #tpu.memory_space<vmem>>
    %dma_start3A_384 = tpu.memref_squeeze %dma_start3A_383 : memref<1x128x256xf32, #tpu.memory_space<vmem>> -> memref<128x256xf32, #tpu.memory_space<vmem>>
    tpu.enqueue_dma source(%dma_start3A_384 : memref<128x256xf32, #tpu.memory_space<vmem>>) target(%dma_start3A_380 : memref<128x256xf32, #tpu.memory_space<hbm>>) target_semaphore(%arg6 : memref<!tpu.dma_semaphore, #tpu.memory_space<semaphore_mem>>)
    %dma_wait3A_385 = arith.constant 1 : i32
    %dma_wait3A_386 = arith.constant 0 : i32
    %dma_wait3A_387 = arith.constant 0 : i32
    %dma_wait3A_388 = tpu.memref_slice %arg4[%dma_wait3A_385, %dma_wait3A_386, %dma_wait3A_387] : memref<2x128x256xf32, #tpu.memory_space<vmem>> -> memref<1x128x256xf32, #tpu.memory_space<vmem>>
    %dma_wait3A_389 = tpu.memref_squeeze %dma_wait3A_388 : memref<1x128x256xf32, #tpu.memory_space<vmem>> -> memref<128x256xf32, #tpu.memory_space<vmem>>
    %dma_wait3A_390 = arith.constant 0 : i32
    %dma_wait3A_391 = tpu.memref_slice %arg2[%select_n3A_198, %select_n3A_240, %mul3A_242, %dma_wait3A_390] : memref<3x64x256x256xf32, #tpu.memory_space<hbm>> -> memref<1x1x128x256xf32, #tpu.memory_space<hbm>>
    %dma_wait3A_392 = tpu.memref_squeeze %dma_wait3A_391 : memref<1x1x128x256xf32, #tpu.memory_space<hbm>> -> memref<128x256xf32, #tpu.memory_space<hbm>>
    %dma_wait3A_393 = arith.constant 0 : i32
    %dma_wait3A_394 = arith.constant 0 : i32
    %dma_wait3A_395 = tpu.memref_slice %arg4[%dma_wait3A_385, %dma_wait3A_393, %dma_wait3A_394] : memref<2x128x256xf32, #tpu.memory_space<vmem>> -> memref<1x128x256xf32, #tpu.memory_space<vmem>>
    %dma_wait3A_396 = tpu.memref_squeeze %dma_wait3A_395 : memref<1x128x256xf32, #tpu.memory_space<vmem>> -> memref<128x256xf32, #tpu.memory_space<vmem>>
    %dma_wait3A_397 = arith.constant 0 : i32
    %dma_wait3A_398 = tpu.memref_slice %arg2[%select_n3A_198, %select_n3A_240, %mul3A_242, %dma_wait3A_397] : memref<3x64x256x256xf32, #tpu.memory_space<hbm>> -> memref<1x1x128x256xf32, #tpu.memory_space<hbm>>
    %dma_wait3A_399 = tpu.memref_squeeze %dma_wait3A_398 : memref<1x1x128x256xf32, #tpu.memory_space<hbm>> -> memref<128x256xf32, #tpu.memory_space<hbm>>
    tpu.wait_dma2 semaphore(%arg5 : memref<!tpu.dma_semaphore, #tpu.memory_space<semaphore_mem>>) src(%dma_wait3A_399 : memref<128x256xf32, #tpu.memory_space<hbm>>) dst(%dma_wait3A_396 : memref<128x256xf32, #tpu.memory_space<vmem>>)
    %dma_wait3A_400 = arith.constant 0 : i32
    %dma_wait3A_401 = arith.constant 0 : i32
    %dma_wait3A_402 = arith.constant 0 : i32
    %dma_wait3A_403 = tpu.memref_slice %arg4[%dma_wait3A_400, %dma_wait3A_401, %dma_wait3A_402] : memref<2x128x256xf32, #tpu.memory_space<vmem>> -> memref<1x128x256xf32, #tpu.memory_space<vmem>>
    %dma_wait3A_404 = tpu.memref_squeeze %dma_wait3A_403 : memref<1x128x256xf32, #tpu.memory_space<vmem>> -> memref<128x256xf32, #tpu.memory_space<vmem>>
    %dma_wait3A_405 = arith.constant 0 : i32
    %dma_wait3A_406 = tpu.memref_slice %arg3[%select_n3A_325, %select_n3A_341, %mul3A_369, %dma_wait3A_405] : memref<3x16x256x256xf32, #tpu.memory_space<hbm>> -> memref<1x1x128x256xf32, #tpu.memory_space<hbm>>
    %dma_wait3A_407 = tpu.memref_squeeze %dma_wait3A_406 : memref<1x1x128x256xf32, #tpu.memory_space<hbm>> -> memref<128x256xf32, #tpu.memory_space<hbm>>
    %dma_wait3A_408 = arith.constant 0 : i32
    %dma_wait3A_409 = tpu.memref_slice %arg3[%select_n3A_325, %select_n3A_341, %mul3A_369, %dma_wait3A_408] : memref<3x16x256x256xf32, #tpu.memory_space<hbm>> -> memref<1x1x128x256xf32, #tpu.memory_space<hbm>>
    %dma_wait3A_410 = tpu.memref_squeeze %dma_wait3A_409 : memref<1x1x128x256xf32, #tpu.memory_space<hbm>> -> memref<128x256xf32, #tpu.memory_space<hbm>>
    %dma_wait3A_411 = arith.constant 0 : i32
    %dma_wait3A_412 = arith.constant 0 : i32
    %dma_wait3A_413 = tpu.memref_slice %arg4[%dma_wait3A_400, %dma_wait3A_411, %dma_wait3A_412] : memref<2x128x256xf32, #tpu.memory_space<vmem>> -> memref<1x128x256xf32, #tpu.memory_space<vmem>>
    %dma_wait3A_414 = tpu.memref_squeeze %dma_wait3A_413 : memref<1x128x256xf32, #tpu.memory_space<vmem>> -> memref<128x256xf32, #tpu.memory_space<vmem>>
    tpu.wait_dma2 semaphore(%arg6 : memref<!tpu.dma_semaphore, #tpu.memory_space<semaphore_mem>>) src(%dma_wait3A_414 : memref<128x256xf32, #tpu.memory_space<vmem>>) dst(%dma_wait3A_410 : memref<128x256xf32, #tpu.memory_space<hbm>>)
    %mul3A_415 = arith.constant 3 : i32
    %mul3A_416 = arith.muli %add3A, %mul3A_415 : i32
    %add3A_417 = arith.constant 2 : i32
    %add3A_418 = arith.addi %mul3A_416, %add3A_417 : i32
    %jit3A_419 = arith.constant 2 : i32
    %div3A_420 = arith.divsi %add3A_418, %jit3A_419 : i32
    %sign3A_421 = arith.constant 0 : i32
    %sign3A_422 = arith.cmpi sgt, %add3A_418, %sign3A_421 : i32
    %sign3A_423 = arith.extui %sign3A_422 : i1 to i32
    %sign3A_424 = arith.constant 0 : i32
    %sign3A_425 = arith.cmpi slt, %add3A_418, %sign3A_424 : i32
    %sign3A_426 = arith.extui %sign3A_425 : i1 to i32
    %sign3A_427 = arith.subi %sign3A_423, %sign3A_426 : i32
    %sign3A_428 = arith.constant 0 : i32
    %sign3A_429 = arith.cmpi sgt, %jit3A_419, %sign3A_428 : i32
    %sign3A_430 = arith.extui %sign3A_429 : i1 to i32
    %sign3A_431 = arith.constant 0 : i32
    %sign3A_432 = arith.cmpi slt, %jit3A_419, %sign3A_431 : i32
    %sign3A_433 = arith.extui %sign3A_432 : i1 to i32
    %sign3A_434 = arith.subi %sign3A_430, %sign3A_433 : i32
    %ne3A_435 = arith.cmpi ne, %sign3A_427, %sign3A_434 : i32
    %rem3A_436 = arith.remsi %add3A_418, %jit3A_419 : i32
    %ne3A_437 = arith.constant 0 : i32
    %ne3A_438 = arith.cmpi ne, %rem3A_436, %ne3A_437 : i32
    %and3A_439 = arith.andi %ne3A_435, %ne3A_438 : i1
    %sub3A_440 = arith.constant 1 : i32
    %sub3A_441 = arith.subi %div3A_420, %sub3A_440 : i32
    %select_n3A_442 = arith.select %and3A_439, %sub3A_441, %div3A_420 : i32
    %jit3A_443 = arith.constant 2 : i32
    %eq3A_444 = arith.constant 0 : i32
    %eq3A_445 = arith.cmpi eq, %jit3A_443, %eq3A_444 : i32
    %jit3A_446 = arith.constant 1 : i32
    %select_n3A_447 = arith.select %eq3A_445, %jit3A_446, %jit3A_443 : i32
    %rem3A_448 = arith.remsi %add3A_418, %select_n3A_447 : i32
    %ne3A_449 = arith.constant 0 : i32
    %ne3A_450 = arith.cmpi ne, %rem3A_448, %ne3A_449 : i32
    %lt3A_451 = arith.constant 0 : i32
    %lt3A_452 = arith.cmpi slt, %rem3A_448, %lt3A_451 : i32
    %lt3A_453 = arith.constant 0 : i32
    %lt3A_454 = arith.cmpi slt, %select_n3A_447, %lt3A_453 : i32
    %ne3A_455 = arith.xori %lt3A_452, %lt3A_454 : i1
    %and3A_456 = arith.andi %ne3A_455, %ne3A_450 : i1
    %add3A_457 = arith.addi %rem3A_448, %select_n3A_447 : i32
    %select_n3A_458 = arith.select %and3A_456, %add3A_457, %rem3A_448 : i32
    %jit3A_459 = arith.constant 16 : i32
    %div3A_460 = arith.divsi %select_n3A_442, %jit3A_459 : i32
    %sign3A_461 = arith.constant 0 : i32
    %sign3A_462 = arith.cmpi sgt, %select_n3A_442, %sign3A_461 : i32
    %sign3A_463 = arith.extui %sign3A_462 : i1 to i32
    %sign3A_464 = arith.constant 0 : i32
    %sign3A_465 = arith.cmpi slt, %select_n3A_442, %sign3A_464 : i32
    %sign3A_466 = arith.extui %sign3A_465 : i1 to i32
    %sign3A_467 = arith.subi %sign3A_463, %sign3A_466 : i32
    %sign3A_468 = arith.constant 0 : i32
    %sign3A_469 = arith.cmpi sgt, %jit3A_459, %sign3A_468 : i32
    %sign3A_470 = arith.extui %sign3A_469 : i1 to i32
    %sign3A_471 = arith.constant 0 : i32
    %sign3A_472 = arith.cmpi slt, %jit3A_459, %sign3A_471 : i32
    %sign3A_473 = arith.extui %sign3A_472 : i1 to i32
    %sign3A_474 = arith.subi %sign3A_470, %sign3A_473 : i32
    %ne3A_475 = arith.cmpi ne, %sign3A_467, %sign3A_474 : i32
    %rem3A_476 = arith.remsi %select_n3A_442, %jit3A_459 : i32
    %ne3A_477 = arith.constant 0 : i32
    %ne3A_478 = arith.cmpi ne, %rem3A_476, %ne3A_477 : i32
    %and3A_479 = arith.andi %ne3A_475, %ne3A_478 : i1
    %sub3A_480 = arith.constant 1 : i32
    %sub3A_481 = arith.subi %div3A_460, %sub3A_480 : i32
    %select_n3A_482 = arith.select %and3A_479, %sub3A_481, %div3A_460 : i32
    %jit3A_483 = arith.constant 16 : i32
    %eq3A_484 = arith.constant 0 : i32
    %eq3A_485 = arith.cmpi eq, %jit3A_483, %eq3A_484 : i32
    %jit3A_486 = arith.constant 1 : i32
    %select_n3A_487 = arith.select %eq3A_485, %jit3A_486, %jit3A_483 : i32
    %rem3A_488 = arith.remsi %select_n3A_442, %select_n3A_487 : i32
    %ne3A_489 = arith.constant 0 : i32
    %ne3A_490 = arith.cmpi ne, %rem3A_488, %ne3A_489 : i32
    %lt3A_491 = arith.constant 0 : i32
    %lt3A_492 = arith.cmpi slt, %rem3A_488, %lt3A_491 : i32
    %lt3A_493 = arith.constant 0 : i32
    %lt3A_494 = arith.cmpi slt, %select_n3A_487, %lt3A_493 : i32
    %ne3A_495 = arith.xori %lt3A_492, %lt3A_494 : i1
    %and3A_496 = arith.andi %ne3A_495, %ne3A_490 : i1
    %add3A_497 = arith.addi %rem3A_488, %select_n3A_487 : i32
    %select_n3A_498 = arith.select %and3A_496, %add3A_497, %rem3A_488 : i32
    %mul3A_499 = arith.constant 21 : i32
    %mul3A_500 = arith.muli %mul3A_499, %select_n3A_498 : i32
    %jit3A_501 = arith.constant 5 : i32
    %div3A_502 = arith.divsi %mul3A_500, %jit3A_501 : i32
    %sign3A_503 = arith.constant 0 : i32
    %sign3A_504 = arith.cmpi sgt, %mul3A_500, %sign3A_503 : i32
    %sign3A_505 = arith.extui %sign3A_504 : i1 to i32
    %sign3A_506 = arith.constant 0 : i32
    %sign3A_507 = arith.cmpi slt, %mul3A_500, %sign3A_506 : i32
    %sign3A_508 = arith.extui %sign3A_507 : i1 to i32
    %sign3A_509 = arith.subi %sign3A_505, %sign3A_508 : i32
    %sign3A_510 = arith.constant 0 : i32
    %sign3A_511 = arith.cmpi sgt, %jit3A_501, %sign3A_510 : i32
    %sign3A_512 = arith.extui %sign3A_511 : i1 to i32
    %sign3A_513 = arith.constant 0 : i32
    %sign3A_514 = arith.cmpi slt, %jit3A_501, %sign3A_513 : i32
    %sign3A_515 = arith.extui %sign3A_514 : i1 to i32
    %sign3A_516 = arith.subi %sign3A_512, %sign3A_515 : i32
    %ne3A_517 = arith.cmpi ne, %sign3A_509, %sign3A_516 : i32
    %rem3A_518 = arith.remsi %mul3A_500, %jit3A_501 : i32
    %ne3A_519 = arith.constant 0 : i32
    %ne3A_520 = arith.cmpi ne, %rem3A_518, %ne3A_519 : i32
    %and3A_521 = arith.andi %ne3A_517, %ne3A_520 : i1
    %sub3A_522 = arith.constant 1 : i32
    %sub3A_523 = arith.subi %div3A_502, %sub3A_522 : i32
    %select_n3A_524 = arith.select %and3A_521, %sub3A_523, %div3A_502 : i32
    %mul3A_525 = arith.constant 128 : i32
    %mul3A_526 = arith.muli %select_n3A_458, %mul3A_525 : i32
    %dma_start3A_527 = arith.constant 0 : i32
    %dma_start3A_528 = arith.constant 0 : i32
    %dma_start3A_529 = arith.constant 0 : i32
    %dma_start3A_530 = tpu.memref_slice %arg4[%dma_start3A_527, %dma_start3A_528, %dma_start3A_529] : memref<2x128x256xf32, #tpu.memory_space<vmem>> -> memref<1x128x256xf32, #tpu.memory_space<vmem>>
    %dma_start3A_531 = tpu.memref_squeeze %dma_start3A_530 : memref<1x128x256xf32, #tpu.memory_space<vmem>> -> memref<128x256xf32, #tpu.memory_space<vmem>>
    %dma_start3A_532 = arith.constant 0 : i32
    %dma_start3A_533 = tpu.memref_slice %arg2[%select_n3A_482, %select_n3A_524, %mul3A_526, %dma_start3A_532] : memref<3x64x256x256xf32, #tpu.memory_space<hbm>> -> memref<1x1x128x256xf32, #tpu.memory_space<hbm>>
    %dma_start3A_534 = tpu.memref_squeeze %dma_start3A_533 : memref<1x1x128x256xf32, #tpu.memory_space<hbm>> -> memref<128x256xf32, #tpu.memory_space<hbm>>
    %dma_start3A_535 = arith.constant 0 : i32
    %dma_start3A_536 = arith.constant 0 : i32
    %dma_start3A_537 = tpu.memref_slice %arg4[%dma_start3A_527, %dma_start3A_535, %dma_start3A_536] : memref<2x128x256xf32, #tpu.memory_space<vmem>> -> memref<1x128x256xf32, #tpu.memory_space<vmem>>
    %dma_start3A_538 = tpu.memref_squeeze %dma_start3A_537 : memref<1x128x256xf32, #tpu.memory_space<vmem>> -> memref<128x256xf32, #tpu.memory_space<vmem>>
    %dma_start3A_539 = arith.constant 0 : i32
    %dma_start3A_540 = tpu.memref_slice %arg2[%select_n3A_482, %select_n3A_524, %mul3A_526, %dma_start3A_539] : memref<3x64x256x256xf32, #tpu.memory_space<hbm>> -> memref<1x1x128x256xf32, #tpu.memory_space<hbm>>
    %dma_start3A_541 = tpu.memref_squeeze %dma_start3A_540 : memref<1x1x128x256xf32, #tpu.memory_space<hbm>> -> memref<128x256xf32, #tpu.memory_space<hbm>>
    tpu.enqueue_dma source(%dma_start3A_541 : memref<128x256xf32, #tpu.memory_space<hbm>>) target(%dma_start3A_538 : memref<128x256xf32, #tpu.memory_space<vmem>>) target_semaphore(%arg5 : memref<!tpu.dma_semaphore, #tpu.memory_space<semaphore_mem>>)
    %mul3A_542 = arith.constant 3 : i32
    %mul3A_543 = arith.muli %add3A, %mul3A_542 : i32
    %add3A_544 = arith.constant 1 : i32
    %add3A_545 = arith.addi %mul3A_543, %add3A_544 : i32
    %jit3A_546 = arith.constant 2 : i32
    %div3A_547 = arith.divsi %add3A_545, %jit3A_546 : i32
    %sign3A_548 = arith.constant 0 : i32
    %sign3A_549 = arith.cmpi sgt, %add3A_545, %sign3A_548 : i32
    %sign3A_550 = arith.extui %sign3A_549 : i1 to i32
    %sign3A_551 = arith.constant 0 : i32
    %sign3A_552 = arith.cmpi slt, %add3A_545, %sign3A_551 : i32
    %sign3A_553 = arith.extui %sign3A_552 : i1 to i32
    %sign3A_554 = arith.subi %sign3A_550, %sign3A_553 : i32
    %sign3A_555 = arith.constant 0 : i32
    %sign3A_556 = arith.cmpi sgt, %jit3A_546, %sign3A_555 : i32
    %sign3A_557 = arith.extui %sign3A_556 : i1 to i32
    %sign3A_558 = arith.constant 0 : i32
    %sign3A_559 = arith.cmpi slt, %jit3A_546, %sign3A_558 : i32
    %sign3A_560 = arith.extui %sign3A_559 : i1 to i32
    %sign3A_561 = arith.subi %sign3A_557, %sign3A_560 : i32
    %ne3A_562 = arith.cmpi ne, %sign3A_554, %sign3A_561 : i32
    %rem3A_563 = arith.remsi %add3A_545, %jit3A_546 : i32
    %ne3A_564 = arith.constant 0 : i32
    %ne3A_565 = arith.cmpi ne, %rem3A_563, %ne3A_564 : i32
    %and3A_566 = arith.andi %ne3A_562, %ne3A_565 : i1
    %sub3A_567 = arith.constant 1 : i32
    %sub3A_568 = arith.subi %div3A_547, %sub3A_567 : i32
    %select_n3A_569 = arith.select %and3A_566, %sub3A_568, %div3A_547 : i32
    %jit3A_570 = arith.constant 2 : i32
    %eq3A_571 = arith.constant 0 : i32
    %eq3A_572 = arith.cmpi eq, %jit3A_570, %eq3A_571 : i32
    %jit3A_573 = arith.constant 1 : i32
    %select_n3A_574 = arith.select %eq3A_572, %jit3A_573, %jit3A_570 : i32
    %rem3A_575 = arith.remsi %add3A_545, %select_n3A_574 : i32
    %ne3A_576 = arith.constant 0 : i32
    %ne3A_577 = arith.cmpi ne, %rem3A_575, %ne3A_576 : i32
    %lt3A_578 = arith.constant 0 : i32
    %lt3A_579 = arith.cmpi slt, %rem3A_575, %lt3A_578 : i32
    %lt3A_580 = arith.constant 0 : i32
    %lt3A_581 = arith.cmpi slt, %select_n3A_574, %lt3A_580 : i32
    %ne3A_582 = arith.xori %lt3A_579, %lt3A_581 : i1
    %and3A_583 = arith.andi %ne3A_582, %ne3A_577 : i1
    %add3A_584 = arith.addi %rem3A_575, %select_n3A_574 : i32
    %select_n3A_585 = arith.select %and3A_583, %add3A_584, %rem3A_575 : i32
    %jit3A_586 = arith.constant 16 : i32
    %div3A_587 = arith.divsi %select_n3A_569, %jit3A_586 : i32
    %sign3A_588 = arith.constant 0 : i32
    %sign3A_589 = arith.cmpi sgt, %select_n3A_569, %sign3A_588 : i32
    %sign3A_590 = arith.extui %sign3A_589 : i1 to i32
    %sign3A_591 = arith.constant 0 : i32
    %sign3A_592 = arith.cmpi slt, %select_n3A_569, %sign3A_591 : i32
    %sign3A_593 = arith.extui %sign3A_592 : i1 to i32
    %sign3A_594 = arith.subi %sign3A_590, %sign3A_593 : i32
    %sign3A_595 = arith.constant 0 : i32
    %sign3A_596 = arith.cmpi sgt, %jit3A_586, %sign3A_595 : i32
    %sign3A_597 = arith.extui %sign3A_596 : i1 to i32
    %sign3A_598 = arith.constant 0 : i32
    %sign3A_599 = arith.cmpi slt, %jit3A_586, %sign3A_598 : i32
    %sign3A_600 = arith.extui %sign3A_599 : i1 to i32
    %sign3A_601 = arith.subi %sign3A_597, %sign3A_600 : i32
    %ne3A_602 = arith.cmpi ne, %sign3A_594, %sign3A_601 : i32
    %rem3A_603 = arith.remsi %select_n3A_569, %jit3A_586 : i32
    %ne3A_604 = arith.constant 0 : i32
    %ne3A_605 = arith.cmpi ne, %rem3A_603, %ne3A_604 : i32
    %and3A_606 = arith.andi %ne3A_602, %ne3A_605 : i1
    %sub3A_607 = arith.constant 1 : i32
    %sub3A_608 = arith.subi %div3A_587, %sub3A_607 : i32
    %select_n3A_609 = arith.select %and3A_606, %sub3A_608, %div3A_587 : i32
    %jit3A_610 = arith.constant 16 : i32
    %eq3A_611 = arith.constant 0 : i32
    %eq3A_612 = arith.cmpi eq, %jit3A_610, %eq3A_611 : i32
    %jit3A_613 = arith.constant 1 : i32
    %select_n3A_614 = arith.select %eq3A_612, %jit3A_613, %jit3A_610 : i32
    %rem3A_615 = arith.remsi %select_n3A_569, %select_n3A_614 : i32
    %ne3A_616 = arith.constant 0 : i32
    %ne3A_617 = arith.cmpi ne, %rem3A_615, %ne3A_616 : i32
    %lt3A_618 = arith.constant 0 : i32
    %lt3A_619 = arith.cmpi slt, %rem3A_615, %lt3A_618 : i32
    %lt3A_620 = arith.constant 0 : i32
    %lt3A_621 = arith.cmpi slt, %select_n3A_614, %lt3A_620 : i32
    %ne3A_622 = arith.xori %lt3A_619, %lt3A_621 : i1
    %and3A_623 = arith.andi %ne3A_622, %ne3A_617 : i1
    %add3A_624 = arith.addi %rem3A_615, %select_n3A_614 : i32
    %select_n3A_625 = arith.select %and3A_623, %add3A_624, %rem3A_615 : i32
    %mul3A_626 = arith.constant 21 : i32
    %mul3A_627 = arith.muli %mul3A_626, %select_n3A_625 : i32
    %jit3A_628 = arith.constant 5 : i32
    %div3A_629 = arith.divsi %mul3A_627, %jit3A_628 : i32
    %sign3A_630 = arith.constant 0 : i32
    %sign3A_631 = arith.cmpi sgt, %mul3A_627, %sign3A_630 : i32
    %sign3A_632 = arith.extui %sign3A_631 : i1 to i32
    %sign3A_633 = arith.constant 0 : i32
    %sign3A_634 = arith.cmpi slt, %mul3A_627, %sign3A_633 : i32
    %sign3A_635 = arith.extui %sign3A_634 : i1 to i32
    %sign3A_636 = arith.subi %sign3A_632, %sign3A_635 : i32
    %sign3A_637 = arith.constant 0 : i32
    %sign3A_638 = arith.cmpi sgt, %jit3A_628, %sign3A_637 : i32
    %sign3A_639 = arith.extui %sign3A_638 : i1 to i32
    %sign3A_640 = arith.constant 0 : i32
    %sign3A_641 = arith.cmpi slt, %jit3A_628, %sign3A_640 : i32
    %sign3A_642 = arith.extui %sign3A_641 : i1 to i32
    %sign3A_643 = arith.subi %sign3A_639, %sign3A_642 : i32
    %ne3A_644 = arith.cmpi ne, %sign3A_636, %sign3A_643 : i32
    %rem3A_645 = arith.remsi %mul3A_627, %jit3A_628 : i32
    %ne3A_646 = arith.constant 0 : i32
    %ne3A_647 = arith.cmpi ne, %rem3A_645, %ne3A_646 : i32
    %and3A_648 = arith.andi %ne3A_644, %ne3A_647 : i1
    %sub3A_649 = arith.constant 1 : i32
    %sub3A_650 = arith.subi %div3A_629, %sub3A_649 : i32
    %select_n3A_651 = arith.select %and3A_648, %sub3A_650, %div3A_629 : i32
    %mul3A_652 = arith.constant 128 : i32
    %mul3A_653 = arith.muli %select_n3A_585, %mul3A_652 : i32
    %dma_start3A_654 = arith.constant 1 : i32
    %dma_start3A_655 = arith.constant 0 : i32
    %dma_start3A_656 = arith.constant 0 : i32
    %dma_start3A_657 = tpu.memref_slice %arg4[%dma_start3A_654, %dma_start3A_655, %dma_start3A_656] : memref<2x128x256xf32, #tpu.memory_space<vmem>> -> memref<1x128x256xf32, #tpu.memory_space<vmem>>
    %dma_start3A_658 = tpu.memref_squeeze %dma_start3A_657 : memref<1x128x256xf32, #tpu.memory_space<vmem>> -> memref<128x256xf32, #tpu.memory_space<vmem>>
    %dma_start3A_659 = arith.constant 0 : i32
    %dma_start3A_660 = tpu.memref_slice %arg3[%select_n3A_609, %select_n3A_625, %mul3A_653, %dma_start3A_659] : memref<3x16x256x256xf32, #tpu.memory_space<hbm>> -> memref<1x1x128x256xf32, #tpu.memory_space<hbm>>
    %dma_start3A_661 = tpu.memref_squeeze %dma_start3A_660 : memref<1x1x128x256xf32, #tpu.memory_space<hbm>> -> memref<128x256xf32, #tpu.memory_space<hbm>>
    %dma_start3A_662 = arith.constant 0 : i32
    %dma_start3A_663 = tpu.memref_slice %arg3[%select_n3A_609, %select_n3A_625, %mul3A_653, %dma_start3A_662] : memref<3x16x256x256xf32, #tpu.memory_space<hbm>> -> memref<1x1x128x256xf32, #tpu.memory_space<hbm>>
    %dma_start3A_664 = tpu.memref_squeeze %dma_start3A_663 : memref<1x1x128x256xf32, #tpu.memory_space<hbm>> -> memref<128x256xf32, #tpu.memory_space<hbm>>
    %dma_start3A_665 = arith.constant 0 : i32
    %dma_start3A_666 = arith.constant 0 : i32
    %dma_start3A_667 = tpu.memref_slice %arg4[%dma_start3A_654, %dma_start3A_665, %dma_start3A_666] : memref<2x128x256xf32, #tpu.memory_space<vmem>> -> memref<1x128x256xf32, #tpu.memory_space<vmem>>
    %dma_start3A_668 = tpu.memref_squeeze %dma_start3A_667 : memref<1x128x256xf32, #tpu.memory_space<vmem>> -> memref<128x256xf32, #tpu.memory_space<vmem>>
    tpu.enqueue_dma source(%dma_start3A_668 : memref<128x256xf32, #tpu.memory_space<vmem>>) target(%dma_start3A_664 : memref<128x256xf32, #tpu.memory_space<hbm>>) target_semaphore(%arg6 : memref<!tpu.dma_semaphore, #tpu.memory_space<semaphore_mem>>)
    %dma_wait3A_669 = arith.constant 0 : i32
    %dma_wait3A_670 = arith.constant 0 : i32
    %dma_wait3A_671 = arith.constant 0 : i32
    %dma_wait3A_672 = tpu.memref_slice %arg4[%dma_wait3A_669, %dma_wait3A_670, %dma_wait3A_671] : memref<2x128x256xf32, #tpu.memory_space<vmem>> -> memref<1x128x256xf32, #tpu.memory_space<vmem>>
    %dma_wait3A_673 = tpu.memref_squeeze %dma_wait3A_672 : memref<1x128x256xf32, #tpu.memory_space<vmem>> -> memref<128x256xf32, #tpu.memory_space<vmem>>
    %dma_wait3A_674 = arith.constant 0 : i32
    %dma_wait3A_675 = tpu.memref_slice %arg2[%select_n3A_482, %select_n3A_524, %mul3A_526, %dma_wait3A_674] : memref<3x64x256x256xf32, #tpu.memory_space<hbm>> -> memref<1x1x128x256xf32, #tpu.memory_space<hbm>>
    %dma_wait3A_676 = tpu.memref_squeeze %dma_wait3A_675 : memref<1x1x128x256xf32, #tpu.memory_space<hbm>> -> memref<128x256xf32, #tpu.memory_space<hbm>>
    %dma_wait3A_677 = arith.constant 0 : i32
    %dma_wait3A_678 = arith.constant 0 : i32
    %dma_wait3A_679 = tpu.memref_slice %arg4[%dma_wait3A_669, %dma_wait3A_677, %dma_wait3A_678] : memref<2x128x256xf32, #tpu.memory_space<vmem>> -> memref<1x128x256xf32, #tpu.memory_space<vmem>>
    %dma_wait3A_680 = tpu.memref_squeeze %dma_wait3A_679 : memref<1x128x256xf32, #tpu.memory_space<vmem>> -> memref<128x256xf32, #tpu.memory_space<vmem>>
    %dma_wait3A_681 = arith.constant 0 : i32
    %dma_wait3A_682 = tpu.memref_slice %arg2[%select_n3A_482, %select_n3A_524, %mul3A_526, %dma_wait3A_681] : memref<3x64x256x256xf32, #tpu.memory_space<hbm>> -> memref<1x1x128x256xf32, #tpu.memory_space<hbm>>
    %dma_wait3A_683 = tpu.memref_squeeze %dma_wait3A_682 : memref<1x1x128x256xf32, #tpu.memory_space<hbm>> -> memref<128x256xf32, #tpu.memory_space<hbm>>
    tpu.wait_dma2 semaphore(%arg5 : memref<!tpu.dma_semaphore, #tpu.memory_space<semaphore_mem>>) src(%dma_wait3A_683 : memref<128x256xf32, #tpu.memory_space<hbm>>) dst(%dma_wait3A_680 : memref<128x256xf32, #tpu.memory_space<vmem>>)
    %dma_wait3A_684 = arith.constant 1 : i32
    %dma_wait3A_685 = arith.constant 0 : i32
    %dma_wait3A_686 = arith.constant 0 : i32
    %dma_wait3A_687 = tpu.memref_slice %arg4[%dma_wait3A_684, %dma_wait3A_685, %dma_wait3A_686] : memref<2x128x256xf32, #tpu.memory_space<vmem>> -> memref<1x128x256xf32, #tpu.memory_space<vmem>>
    %dma_wait3A_688 = tpu.memref_squeeze %dma_wait3A_687 : memref<1x128x256xf32, #tpu.memory_space<vmem>> -> memref<128x256xf32, #tpu.memory_space<vmem>>
    %dma_wait3A_689 = arith.constant 0 : i32
    %dma_wait3A_690 = tpu.memref_slice %arg3[%select_n3A_609, %select_n3A_625, %mul3A_653, %dma_wait3A_689] : memref<3x16x256x256xf32, #tpu.memory_space<hbm>> -> memref<1x1x128x256xf32, #tpu.memory_space<hbm>>
    %dma_wait3A_691 = tpu.memref_squeeze %dma_wait3A_690 : memref<1x1x128x256xf32, #tpu.memory_space<hbm>> -> memref<128x256xf32, #tpu.memory_space<hbm>>
    %dma_wait3A_692 = arith.constant 0 : i32
    %dma_wait3A_693 = tpu.memref_slice %arg3[%select_n3A_609, %select_n3A_625, %mul3A_653, %dma_wait3A_692] : memref<3x16x256x256xf32, #tpu.memory_space<hbm>> -> memref<1x1x128x256xf32, #tpu.memory_space<hbm>>
    %dma_wait3A_694 = tpu.memref_squeeze %dma_wait3A_693 : memref<1x1x128x256xf32, #tpu.memory_space<hbm>> -> memref<128x256xf32, #tpu.memory_space<hbm>>
    %dma_wait3A_695 = arith.constant 0 : i32
    %dma_wait3A_696 = arith.constant 0 : i32
    %dma_wait3A_697 = tpu.memref_slice %arg4[%dma_wait3A_684, %dma_wait3A_695, %dma_wait3A_696] : memref<2x128x256xf32, #tpu.memory_space<vmem>> -> memref<1x128x256xf32, #tpu.memory_space<vmem>>
    %dma_wait3A_698 = tpu.memref_squeeze %dma_wait3A_697 : memref<1x128x256xf32, #tpu.memory_space<vmem>> -> memref<128x256xf32, #tpu.memory_space<vmem>>
    tpu.wait_dma2 semaphore(%arg6 : memref<!tpu.dma_semaphore, #tpu.memory_space<semaphore_mem>>) src(%dma_wait3A_698 : memref<128x256xf32, #tpu.memory_space<vmem>>) dst(%dma_wait3A_694 : memref<128x256xf32, #tpu.memory_space<hbm>>)
    %mul3A_699 = arith.constant 3 : i32
    %mul3A_700 = arith.muli %add3A, %mul3A_699 : i32
    %add3A_701 = arith.constant 2 : i32
    %add3A_702 = arith.addi %mul3A_700, %add3A_701 : i32
    %jit3A_703 = arith.constant 2 : i32
    %div3A_704 = arith.divsi %add3A_702, %jit3A_703 : i32
    %sign3A_705 = arith.constant 0 : i32
    %sign3A_706 = arith.cmpi sgt, %add3A_702, %sign3A_705 : i32
    %sign3A_707 = arith.extui %sign3A_706 : i1 to i32
    %sign3A_708 = arith.constant 0 : i32
    %sign3A_709 = arith.cmpi slt, %add3A_702, %sign3A_708 : i32
    %sign3A_710 = arith.extui %sign3A_709 : i1 to i32
    %sign3A_711 = arith.subi %sign3A_707, %sign3A_710 : i32
    %sign3A_712 = arith.constant 0 : i32
    %sign3A_713 = arith.cmpi sgt, %jit3A_703, %sign3A_712 : i32
    %sign3A_714 = arith.extui %sign3A_713 : i1 to i32
    %sign3A_715 = arith.constant 0 : i32
    %sign3A_716 = arith.cmpi slt, %jit3A_703, %sign3A_715 : i32
    %sign3A_717 = arith.extui %sign3A_716 : i1 to i32
    %sign3A_718 = arith.subi %sign3A_714, %sign3A_717 : i32
    %ne3A_719 = arith.cmpi ne, %sign3A_711, %sign3A_718 : i32
    %rem3A_720 = arith.remsi %add3A_702, %jit3A_703 : i32
    %ne3A_721 = arith.constant 0 : i32
    %ne3A_722 = arith.cmpi ne, %rem3A_720, %ne3A_721 : i32
    %and3A_723 = arith.andi %ne3A_719, %ne3A_722 : i1
    %sub3A_724 = arith.constant 1 : i32
    %sub3A_725 = arith.subi %div3A_704, %sub3A_724 : i32
    %select_n3A_726 = arith.select %and3A_723, %sub3A_725, %div3A_704 : i32
    %jit3A_727 = arith.constant 2 : i32
    %eq3A_728 = arith.constant 0 : i32
    %eq3A_729 = arith.cmpi eq, %jit3A_727, %eq3A_728 : i32
    %jit3A_730 = arith.constant 1 : i32
    %select_n3A_731 = arith.select %eq3A_729, %jit3A_730, %jit3A_727 : i32
    %rem3A_732 = arith.remsi %add3A_702, %select_n3A_731 : i32
    %ne3A_733 = arith.constant 0 : i32
    %ne3A_734 = arith.cmpi ne, %rem3A_732, %ne3A_733 : i32
    %lt3A_735 = arith.constant 0 : i32
    %lt3A_736 = arith.cmpi slt, %rem3A_732, %lt3A_735 : i32
    %lt3A_737 = arith.constant 0 : i32
    %lt3A_738 = arith.cmpi slt, %select_n3A_731, %lt3A_737 : i32
    %ne3A_739 = arith.xori %lt3A_736, %lt3A_738 : i1
    %and3A_740 = arith.andi %ne3A_739, %ne3A_734 : i1
    %add3A_741 = arith.addi %rem3A_732, %select_n3A_731 : i32
    %select_n3A_742 = arith.select %and3A_740, %add3A_741, %rem3A_732 : i32
    %jit3A_743 = arith.constant 16 : i32
    %div3A_744 = arith.divsi %select_n3A_726, %jit3A_743 : i32
    %sign3A_745 = arith.constant 0 : i32
    %sign3A_746 = arith.cmpi sgt, %select_n3A_726, %sign3A_745 : i32
    %sign3A_747 = arith.extui %sign3A_746 : i1 to i32
    %sign3A_748 = arith.constant 0 : i32
    %sign3A_749 = arith.cmpi slt, %select_n3A_726, %sign3A_748 : i32
    %sign3A_750 = arith.extui %sign3A_749 : i1 to i32
    %sign3A_751 = arith.subi %sign3A_747, %sign3A_750 : i32
    %sign3A_752 = arith.constant 0 : i32
    %sign3A_753 = arith.cmpi sgt, %jit3A_743, %sign3A_752 : i32
    %sign3A_754 = arith.extui %sign3A_753 : i1 to i32
    %sign3A_755 = arith.constant 0 : i32
    %sign3A_756 = arith.cmpi slt, %jit3A_743, %sign3A_755 : i32
    %sign3A_757 = arith.extui %sign3A_756 : i1 to i32
    %sign3A_758 = arith.subi %sign3A_754, %sign3A_757 : i32
    %ne3A_759 = arith.cmpi ne, %sign3A_751, %sign3A_758 : i32
    %rem3A_760 = arith.remsi %select_n3A_726, %jit3A_743 : i32
    %ne3A_761 = arith.constant 0 : i32
    %ne3A_762 = arith.cmpi ne, %rem3A_760, %ne3A_761 : i32
    %and3A_763 = arith.andi %ne3A_759, %ne3A_762 : i1
    %sub3A_764 = arith.constant 1 : i32
    %sub3A_765 = arith.subi %div3A_744, %sub3A_764 : i32
    %select_n3A_766 = arith.select %and3A_763, %sub3A_765, %div3A_744 : i32
    %jit3A_767 = arith.constant 16 : i32
    %eq3A_768 = arith.constant 0 : i32
    %eq3A_769 = arith.cmpi eq, %jit3A_767, %eq3A_768 : i32
    %jit3A_770 = arith.constant 1 : i32
    %select_n3A_771 = arith.select %eq3A_769, %jit3A_770, %jit3A_767 : i32
    %rem3A_772 = arith.remsi %select_n3A_726, %select_n3A_771 : i32
    %ne3A_773 = arith.constant 0 : i32
    %ne3A_774 = arith.cmpi ne, %rem3A_772, %ne3A_773 : i32
    %lt3A_775 = arith.constant 0 : i32
    %lt3A_776 = arith.cmpi slt, %rem3A_772, %lt3A_775 : i32
    %lt3A_777 = arith.constant 0 : i32
    %lt3A_778 = arith.cmpi slt, %select_n3A_771, %lt3A_777 : i32
    %ne3A_779 = arith.xori %lt3A_776, %lt3A_778 : i1
    %and3A_780 = arith.andi %ne3A_779, %ne3A_774 : i1
    %add3A_781 = arith.addi %rem3A_772, %select_n3A_771 : i32
    %select_n3A_782 = arith.select %and3A_780, %add3A_781, %rem3A_772 : i32
    %mul3A_783 = arith.constant 21 : i32
    %mul3A_784 = arith.muli %mul3A_783, %select_n3A_782 : i32
    %jit3A_785 = arith.constant 5 : i32
    %div3A_786 = arith.divsi %mul3A_784, %jit3A_785 : i32
    %sign3A_787 = arith.constant 0 : i32
    %sign3A_788 = arith.cmpi sgt, %mul3A_784, %sign3A_787 : i32
    %sign3A_789 = arith.extui %sign3A_788 : i1 to i32
    %sign3A_790 = arith.constant 0 : i32
    %sign3A_791 = arith.cmpi slt, %mul3A_784, %sign3A_790 : i32
    %sign3A_792 = arith.extui %sign3A_791 : i1 to i32
    %sign3A_793 = arith.subi %sign3A_789, %sign3A_792 : i32
    %sign3A_794 = arith.constant 0 : i32
    %sign3A_795 = arith.cmpi sgt, %jit3A_785, %sign3A_794 : i32
    %sign3A_796 = arith.extui %sign3A_795 : i1 to i32
    %sign3A_797 = arith.constant 0 : i32
    %sign3A_798 = arith.cmpi slt, %jit3A_785, %sign3A_797 : i32
    %sign3A_799 = arith.extui %sign3A_798 : i1 to i32
    %sign3A_800 = arith.subi %sign3A_796, %sign3A_799 : i32
    %ne3A_801 = arith.cmpi ne, %sign3A_793, %sign3A_800 : i32
    %rem3A_802 = arith.remsi %mul3A_784, %jit3A_785 : i32
    %ne3A_803 = arith.constant 0 : i32
    %ne3A_804 = arith.cmpi ne, %rem3A_802, %ne3A_803 : i32
    %and3A_805 = arith.andi %ne3A_801, %ne3A_804 : i1
    %sub3A_806 = arith.constant 1 : i32
    %sub3A_807 = arith.subi %div3A_786, %sub3A_806 : i32
    %select_n3A_808 = arith.select %and3A_805, %sub3A_807, %div3A_786 : i32
    %mul3A_809 = arith.constant 128 : i32
    %mul3A_810 = arith.muli %select_n3A_742, %mul3A_809 : i32
    %dma_start3A_811 = arith.constant 0 : i32
    %dma_start3A_812 = arith.constant 0 : i32
    %dma_start3A_813 = arith.constant 0 : i32
    %dma_start3A_814 = tpu.memref_slice %arg4[%dma_start3A_811, %dma_start3A_812, %dma_start3A_813] : memref<2x128x256xf32, #tpu.memory_space<vmem>> -> memref<1x128x256xf32, #tpu.memory_space<vmem>>
    %dma_start3A_815 = tpu.memref_squeeze %dma_start3A_814 : memref<1x128x256xf32, #tpu.memory_space<vmem>> -> memref<128x256xf32, #tpu.memory_space<vmem>>
    %dma_start3A_816 = arith.constant 0 : i32
    %dma_start3A_817 = tpu.memref_slice %arg3[%select_n3A_766, %select_n3A_782, %mul3A_810, %dma_start3A_816] : memref<3x16x256x256xf32, #tpu.memory_space<hbm>> -> memref<1x1x128x256xf32, #tpu.memory_space<hbm>>
    %dma_start3A_818 = tpu.memref_squeeze %dma_start3A_817 : memref<1x1x128x256xf32, #tpu.memory_space<hbm>> -> memref<128x256xf32, #tpu.memory_space<hbm>>
    %dma_start3A_819 = arith.constant 0 : i32
    %dma_start3A_820 = tpu.memref_slice %arg3[%select_n3A_766, %select_n3A_782, %mul3A_810, %dma_start3A_819] : memref<3x16x256x256xf32, #tpu.memory_space<hbm>> -> memref<1x1x128x256xf32, #tpu.memory_space<hbm>>
    %dma_start3A_821 = tpu.memref_squeeze %dma_start3A_820 : memref<1x1x128x256xf32, #tpu.memory_space<hbm>> -> memref<128x256xf32, #tpu.memory_space<hbm>>
    %dma_start3A_822 = arith.constant 0 : i32
    %dma_start3A_823 = arith.constant 0 : i32
    %dma_start3A_824 = tpu.memref_slice %arg4[%dma_start3A_811, %dma_start3A_822, %dma_start3A_823] : memref<2x128x256xf32, #tpu.memory_space<vmem>> -> memref<1x128x256xf32, #tpu.memory_space<vmem>>
    %dma_start3A_825 = tpu.memref_squeeze %dma_start3A_824 : memref<1x128x256xf32, #tpu.memory_space<vmem>> -> memref<128x256xf32, #tpu.memory_space<vmem>>
    tpu.enqueue_dma source(%dma_start3A_825 : memref<128x256xf32, #tpu.memory_space<vmem>>) target(%dma_start3A_821 : memref<128x256xf32, #tpu.memory_space<hbm>>) target_semaphore(%arg6 : memref<!tpu.dma_semaphore, #tpu.memory_space<semaphore_mem>>)
    %dma_wait3A_826 = arith.constant 0 : i32
    %dma_wait3A_827 = arith.constant 0 : i32
    %dma_wait3A_828 = arith.constant 0 : i32
    %dma_wait3A_829 = tpu.memref_slice %arg4[%dma_wait3A_826, %dma_wait3A_827, %dma_wait3A_828] : memref<2x128x256xf32, #tpu.memory_space<vmem>> -> memref<1x128x256xf32, #tpu.memory_space<vmem>>
    %dma_wait3A_830 = tpu.memref_squeeze %dma_wait3A_829 : memref<1x128x256xf32, #tpu.memory_space<vmem>> -> memref<128x256xf32, #tpu.memory_space<vmem>>
    %dma_wait3A_831 = arith.constant 0 : i32
    %dma_wait3A_832 = tpu.memref_slice %arg3[%select_n3A_766, %select_n3A_782, %mul3A_810, %dma_wait3A_831] : memref<3x16x256x256xf32, #tpu.memory_space<hbm>> -> memref<1x1x128x256xf32, #tpu.memory_space<hbm>>
    %dma_wait3A_833 = tpu.memref_squeeze %dma_wait3A_832 : memref<1x1x128x256xf32, #tpu.memory_space<hbm>> -> memref<128x256xf32, #tpu.memory_space<hbm>>
    %dma_wait3A_834 = arith.constant 0 : i32
    %dma_wait3A_835 = tpu.memref_slice %arg3[%select_n3A_766, %select_n3A_782, %mul3A_810, %dma_wait3A_834] : memref<3x16x256x256xf32, #tpu.memory_space<hbm>> -> memref<1x1x128x256xf32, #tpu.memory_space<hbm>>
    %dma_wait3A_836 = tpu.memref_squeeze %dma_wait3A_835 : memref<1x1x128x256xf32, #tpu.memory_space<hbm>> -> memref<128x256xf32, #tpu.memory_space<hbm>>
    %dma_wait3A_837 = arith.constant 0 : i32
    %dma_wait3A_838 = arith.constant 0 : i32
    %dma_wait3A_839 = tpu.memref_slice %arg4[%dma_wait3A_826, %dma_wait3A_837, %dma_wait3A_838] : memref<2x128x256xf32, #tpu.memory_space<vmem>> -> memref<1x128x256xf32, #tpu.memory_space<vmem>>
    %dma_wait3A_840 = tpu.memref_squeeze %dma_wait3A_839 : memref<1x128x256xf32, #tpu.memory_space<vmem>> -> memref<128x256xf32, #tpu.memory_space<vmem>>
    tpu.wait_dma2 semaphore(%arg6 : memref<!tpu.dma_semaphore, #tpu.memory_space<semaphore_mem>>) src(%dma_wait3A_840 : memref<128x256xf32, #tpu.memory_space<vmem>>) dst(%dma_wait3A_836 : memref<128x256xf32, #tpu.memory_space<hbm>>)
    return
  }
}

module attributes {stable_mosaic.version = 14 : i64} {
  func.func @_tc_body(%arg0: i32, %arg1: i32, %arg2: memref<1x32x256x256xf32, #tpu.memory_space<vmem>>, %arg3: memref<1x32x256x256xf32, #tpu.memory_space<vmem>>) attributes {dimension_semantics = [#tpu.dimension_semantics<parallel>, #tpu.dimension_semantics<parallel>], iteration_bounds = array<i64: 3, 2>, scalar_prefetch = 0 : i64, scratch_operands = 0 : i64, tpu.core_type = #tpu.core_type<tc>, window_params = [{transform_indices = @transform_0, window_bounds = array<i64: 1, 32, 256, 256>}, {transform_indices = @transform_1, window_bounds = array<i64: 1, 32, 256, 256>}]} {
    %get3A = arith.constant 0 : index
    %get3A_0 = arith.constant 0 : index
    %get3A_1 = arith.constant 0 : index
    %get3A_2 = arith.constant 0 : index
    %get3A_3 = vector.load %arg2[%get3A, %get3A_0, %get3A_1, %get3A_2] : memref<1x32x256x256xf32, #tpu.memory_space<vmem>>, vector<1x32x256x256xf32>
    %swap3A = arith.constant 0 : index
    %swap3A_4 = arith.constant 0 : index
    %swap3A_5 = arith.constant 0 : index
    %swap3A_6 = arith.constant 0 : index
    %swap3A_7 = vector.load %arg3[%swap3A, %swap3A_4, %swap3A_5, %swap3A_6] : memref<1x32x256x256xf32, #tpu.memory_space<vmem>>, vector<1x32x256x256xf32>
    tpu.vector_store %arg3[%swap3A, %swap3A_4, %swap3A_5, %swap3A_6], %get3A_3 {strides = array<i32>} : memref<1x32x256x256xf32, #tpu.memory_space<vmem>>, vector<1x32x256x256xf32>,
    return
  }
  func.func @transform_0(%arg0: i32, %arg1: i32) -> (i32, i32, i32, i32) {
    %c0_i32 = arith.constant 0 : i32
    %c0_i32_0 = arith.constant 0 : i32
    %c0_i32_1 = arith.constant 0 : i32
    return %arg0, %arg1, %c0_i32, %c0_i32_0 : i32, i32, i32, i32
  }
  func.func @transform_1(%arg0: i32, %arg1: i32) -> (i32, i32, i32, i32) {
    %c0_i32 = arith.constant 0 : i32
    %c0_i32_0 = arith.constant 0 : i32
    %c0_i32_1 = arith.constant 0 : i32
    return %arg0, %arg1, %c0_i32, %c0_i32_0 : i32, i32, i32, i32
  }
}

</mosaic_0001>

<sc_bundles>
// kernel: kernel.4.cloned.1.call-start
scs
__scs_entry_jumppad:
0x0: {  	(pc) =	sbr.rel $0x88, $3  }
0x1: {  	(tag) =	ssettag $0x0;
	lr =	simm.s32 $0x1  }
0x2: {  	[smem:$0x3FA0] =	sst lr;
	_ =	strace $0xD0000000  }
0x3: {  	_ = 	snop  }
0x4: {  	_ = 	snop  }
0x5: {  	_ = 	snop  }
0x6: {  	_ = 	snop  }
0x7: {  	_ = 	snop  }
__scs_overlays_trampoline_lowered:
0x8: {  	[smem:$0x3FAF] =	sst s0  }
0x9: {  	[smem:$0x3FB0] =	sst s1  }
0xa: {  	[smem:$0x3FB1] =	sst s2  }
0xb: {  	[smem:$0x3FB2] =	sst s3  }
0xc: {  	[smem:$0x3FB3] =	sst s4  }
0xd: {  	[smem:$0x3FB4] =	sst s5  }
0xe: {  	[smem:$0x3FB5] =	sst s6  }
0xf: {  	[smem:$0x3FB6] =	sst s7  }
0x10: {  	[smem:$0x3FB7] =	sst s8  }
0x11: {  	[smem:$0x3FB8] =	sst s9;
	s0 =	simm.s32 @!p0 $0x0  }
0x12: {  	s1 =	sld [smem:$0x3F9E];
	s0 =	simm.s32 @p0 $0x1  }
0x13: {  	[smem:$0x3FB9] =	sst s0;
	s0 =	simm.s32 @!p1 $0x0  }
0x14: {  	s2 =	sld [smem:$0x3F9D];
	s0 =	simm.s32 @p1 $0x1  }
0x15: {  	[smem:$0x3FBA] =	sst s0;
	s0 =	simm.s32 @!p2 $0x0  }
0x16: {  	s3 =	sld [smem:$0x3FDB];
	s0 =	simm.s32 @p2 $0x1  }
0x17: {  	s4 =	simm.s32 $0x1BF5;
	[smem:$0x3FBC] =	sst s0  }
0x18: {  	s0 =	sld [smem:$0x3F9F];
	_ =	swait.ge [sflag:s4], $0x0  }
0x19: {  	s7 =	sld [smem:$0x3FA0]  }
0x1a: {  	s8 =	sadd.s32 $0xFFFFE003, lr  }
0x1b: {  	s9 =	sadd.s32 $0xFFFFFEF7, lr;
	s5 =	simm.s32 $0xFFFFFFFF;
	p2 =	slt.u32 s8, $0xFFFFF086  }
0x1c: {  	p1 =	slt.u32 s9, $0xF7A;
	s5 =	simm.s32 @!p2 $0x0  }
0x1d: {  	s5 =	simm.s32 @p1 $0x1;
	p0 =	seq.s32 s7, s2  }
0x1e: {  	s7 =	smul.u32 @!p0 $0xF7A, s2;
	p2 =	seq.s32 @!p0 s5, $0x0  }
0x1f: {  	s9 =	smul.u32 $0xF7A, s1;
	s8 =	simm.s32 @!p0 $0x1BF5;
	p2 =	por !p2, p0  }
0x20: {  	[sflag:s8] =	ssyncset.s32 @!p0 $0xFFFFF086;
	s6 =	sadd.s32 @!p0 s3, s7;
	s7 =	simm.s32 @!p0 $0x108  }
0x21: {  	s3 =	sadd.s32 s3, s9;
	s6 =	sadd.s32 @!p0 $0x88, s6;
	s7 =	simm.s32 @p2 $0x1082  }
0x22: {  	[simem:s7], [sflag:s8] =	dma.local @!p0 [hbm:s6], $0xF7A  }
0x23: {  	s9 =	sor.u32 $0xD0000000, s2;
	s6 =	simm.s32 $0x108;
	_ =	swait.ge @!p0 [sflag:s8], $0x0  }
0x24: {  	s3 =	sadd.s32 $0x88, s3;
	s6 =	simm.s32 @!p1 $0x1082;
	[sflag:s4] =	ssyncset.s32 $0xFFFFF086  }
0x25: {  	[simem:s6], [sflag:s4] =	dma.local [hbm:s3], $0xF7A  }
0x26: {  	[smem:$0x3FA0] =	sst s1;
	(tag) =	ssettag s2;
	_ =	strace s9  }
0x27: {  	s1 =	sld [smem:$0x3FB0]  }
0x28: {  	s2 =	sld [smem:$0x3FB1]  }
0x29: {  	s4 =	sld [smem:$0x3FB3]  }
0x2a: {  	p0 =	seq.s32 s5, $0x0;
	s5 =	sld [smem:$0x3FB4]  }
0x2b: {  	s6 =	sld [smem:$0x3FB5]  }
0x2c: {  	s7 =	sld [smem:$0x3FB6]  }
0x2d: {  	s3 =	simm.s32 $0x108;
	s8 =	sld [smem:$0x3FB7]  }
0x2e: {  	s3 =	simm.s32 @!p0 $0x1082;
	s9 =	sld [smem:$0x3FB8]  }
0x2f: {  	lr =	sadd.s32 s0, s3;
	s0 =	sld [smem:$0x3FAF]  }
0x30: {  	s3 =	sld [smem:$0x3FB2]  }
0x31: {  	[smem:$0x3FBB] =	sst s10  }
0x32: {  	s10 =	sld [smem:$0x3FB9];
	_ =	sdelay $0x3  }
0x33: {  	p0 =	seq.s32 s10, $0x1;
	s10 =	sld [smem:$0x3FBB];
	_ =	sdelay $0x3  }
0x34: {  	[smem:$0x3FBB] =	sst s10  }
0x35: {  	s10 =	sld [smem:$0x3FBA];
	_ =	sdelay $0x3  }
0x36: {  	p1 =	seq.s32 s10, $0x1;
	s10 =	sld [smem:$0x3FBB];
	_ =	sdelay $0x3  }
0x37: {  	[smem:$0x3FBB] =	sst s10  }
0x38: {  	s10 =	sld [smem:$0x3FBC]  }
0x39: {  	_ = 	snop;
	(pc) =	sbr.ind lr, $3  }
0x3a: {  	_ = 	snop  }
0x3b: {  	_ = 	snop  }
0x3c: {  	p2 =	seq.s32 s10, $0x1;
	s10 =	sld [smem:$0x3FBB]  }
0x3d: {  	_ =	shalt  }
0x3e: {  	_ =	shalt  }
0x3f: {  	_ =	shalt  }
0x40: {  	_ =	shalt  }
0x41: {  	_ =	shalt  }
0x42: {  	_ =	shalt  }
0x43: {  	_ =	shalt  }
0x44: {  	_ =	shalt  }
0x45: {  	_ =	shalt  }
0x46: {  	_ =	shalt  }
0x47: {  	_ =	shalt  }
0x48: {  	_ =	shalt  }
0x49: {  	_ =	shalt  }
0x4a: {  	_ =	shalt  }
0x4b: {  	_ =	shalt  }
0x4c: {  	_ =	shalt  }
0x4d: {  	_ =	shalt  }
0x4e: {  	_ =	shalt  }
0x4f: {  	_ =	shalt  }
0x50: {  	_ =	shalt  }
0x51: {  	_ =	shalt  }
0x52: {  	_ =	shalt  }
0x53: {  	_ =	shalt  }
0x54: {  	_ =	shalt  }
0x55: {  	_ =	shalt  }
0x56: {  	_ =	shalt  }
0x57: {  	_ =	shalt  }
0x58: {  	_ =	shalt  }
0x59: {  	_ =	shalt  }
0x5a: {  	_ =	shalt  }
0x5b: {  	_ =	shalt  }
0x5c: {  	_ =	shalt  }
0x5d: {  	_ =	shalt  }
0x5e: {  	_ =	shalt  }
0x5f: {  	_ =	shalt  }
0x60: {  	_ =	shalt  }
0x61: {  	_ =	shalt  }
0x62: {  	_ =	shalt  }
0x63: {  	_ =	shalt  }
0x64: {  	_ =	shalt  }
0x65: {  	_ =	shalt  }
0x66: {  	_ =	shalt  }
0x67: {  	_ =	shalt  }
0x68: {  	_ =	shalt  }
0x69: {  	_ =	shalt  }
0x6a: {  	_ =	shalt  }
0x6b: {  	_ =	shalt  }
0x6c: {  	_ =	shalt  }
0x6d: {  	_ =	shalt  }
0x6e: {  	_ =	shalt  }
0x6f: {  	_ =	shalt  }
0x70: {  	_ =	shalt  }
0x71: {  	_ =	shalt  }
0x72: {  	_ =	shalt  }
0x73: {  	_ =	shalt  }
0x74: {  	_ =	shalt  }
0x75: {  	_ =	shalt  }
0x76: {  	_ =	shalt  }
0x77: {  	_ =	shalt  }
0x78: {  	_ =	shalt  }
0x79: {  	_ =	shalt  }
0x7a: {  	_ =	shalt  }
0x7b: {  	_ =	shalt  }
0x7c: {  	_ =	shalt  }
0x7d: {  	_ =	shalt  }
0x7e: {  	_ =	shalt  }
0x7f: {  	_ =	shalt  }
0x80: {  	_ =	shalt  }
0x81: {  	_ =	shalt  }
0x82: {  	_ =	shalt  }
0x83: {  	_ =	shalt  }
0x84: {  	_ =	shalt  }
0x85: {  	_ =	shalt  }
0x86: {  	_ =	shalt  }
0x87: {  	_ =	shalt  }
.Lfunc_end0:
.L_simem_size_0:
called_computation_lowered:
.L_overlay_start_0:
0x88: {  	s2 =	sld [smem:$0x3FD9]  }
0x89: {  	s3 =	sld [smem:$0x3FFE];
	_ =	sdelay $0x1  }
0x8a: {  	s1 =	srdreg.scid  }
0x8b: {  	s0 =	sand.u32 $0x1, s1  }
0x8c: {  	s15 =	sshll.u32 s0, $0xA;
	s2 =	sadd.s32 s3, s2  }
0x8d: {  	s2 =	sadd.s32 s2, s15  }
0x8e: {  	[smem:$0x3FC7] =	sst s2  }
0x8f: {  	_ = 	snop  }
0x90: {  	s2 =	sld [smem:$0x3FD0];
	_ =	sdelay $0x2  }
0x91: {  	s4 =	simm.s32 $0xA;
	s5 =	simm.s32 $0x10;
	s16 =	sld [smem:$0x3FC9]  }
0x92: {  	[smem:s5], [sflag:s4] =	dma.local [hbm:s2], $0x1  }
0x93: {  	_ =	swait.eq [sflag:s4], $0x1  }
0x94: {  	[sflag:s4] =	ssyncset.done $0x0  }
0x95: {  	[sflag:s4] =	ssyncadd.s32 $0xFFFFFFFF  }
0x96: {  	s17 =	sld [smem:$0x10];
	(tm) =	ssettm $0x1  }
0x97: {  	s18 =	sld [smem:$0x3FFB];
	_ =	sdelay $0x3  }
0x98: {  	_ =	strace s18  }
0x99: {  	s4 =	sld [smem:$0x3FFC];
	_ =	sdelay $0x3  }
0x9a: {  	_ =	strace s4  }
0x9b: {  	s4 =	sld [smem:$0x3FFD];
	_ =	sdelay $0x3  }
0x9c: {  	_ =	strace s4  }
0x9d: {  	_ =	strace $0x8FFFFFFF  }
0x9e: {  	s19 =	sld [smem:$0x3FDB];
	_ =	sdelay $0x1  }
0x9f: {  	s20 =	simm.s32 $_scs_section_size  }
0xa0: {  	s6 =	simm.s32 $_size__tile_overlayer_lowered;
	s7 =	simm.s32 $_tile_overlayer_lowered  }
0xa1: {  	s23 =	simm.s32 $0x1BFF;
	s22 =	sshll.u32 s7, $0x1;
	s4 =	sadd.s32 s20, s19  }
0xa2: {  	s8 =	simm.s32 $0x0;
	s21 =	sshll.u32 s6, $0x1;
	s6 =	sadd.s32 s22, s4  }
0xa3: {  	[timem:s8], [sflag:s23] =	dma.local [hbm:s6], s21  }
0xa4: {  	_ =	swait.ge [sflag:s23], s21  }
0xa5: {  	s5 =	ssub.s32 $0x0, s21;
	[sflag:s23] =	ssyncset.done $0x0  }
0xa6: {  	[sflag:s23] =	ssyncadd.s32 s5;
	_ =	sdelay $0x1  }
0xa7: {  	s24 =	simm.s32 $0x1B8B  }
0xa8: {  	_ =	swait.ge [sflag:s24], $0x1  }
0xa9: {  	[sflag:s24] =	ssyncset.done $0x0  }
0xaa: {  	s25 =	simm.s32 $0x1B8E;
	[sflag:s24] =	ssyncadd.s32 $0xFFFFFFFF  }
0xab: {  	s26 =	simm.s32 $execute0_lowered;
	[smem:$0x3FD2] =	sst s25  }
0xac: {  	s5 =	sshll.u32 s26, $0x1;
	_ =	strace $0x80000046;
	[dreg:$0x1] =	wrdreg $0xFFFFFFFF  }
0xad: {  	s28 =	simm.s32 $_size_execute0_lowered;
	s4 =	sadd.s32 s4, s5;
	[dreg:$0x0] =	wrdreg $0x0  }
0xae: {  	s5 =	sshll.u32 s28, $0x1;
	[dreg:$0x2] =	wrdreg s4  }
0xaf: {  	[dreg:$0x3] =	wrdreg s5  }
0xb0: {  	[dreg:$0x4] =	wrdreg $0xC0  }
0xb1: {  	_ =	task [dreg:s8], $0x5FFFF  }
0xb2: {  	[dreg:$0x1] =	wrdreg $0xFFFFFFFF  }
0xb3: {  	[dreg:$0x0] =	wrdreg $0x60  }
0xb4: {  	[dreg:$0x2] =	wrdreg s16  }
0xb5: {  	[dreg:$0x3] =	wrdreg s17  }
0xb6: {  	[dreg:$0x4] =	wrdreg $0x9  }
0xb7: {  	_ =	task.clear_ibuf [dreg:s8], $0x5FFFF;
	_ =	strace $0x90000046  }
0xb8: {  	s29 =	simm.s32 $0x9;
	_ =	strace $0x80000048  }
0xb9: {  	_ =	swait.ge [sflag:s29], $0x1  }
0xba: {  	[sflag:s29] =	ssyncadd.s32 $0xFFFFFFFF  }
0xbb: {  	_ =	strace $0x90000048  }
0xbc: {  	_ =	sfence  }
0xbd: {  	s30 =	sld [smem:$0x0];
	_ =	sdelay $0x2  }
0xbe: {  	s31 =	sshll.u32 s1, $0xD;
	s1 =	sshrl.u32 s1, $0x2  }
0xbf: {  	s3 =	sand.u32 $0x4000, s31;
	s1 =	sadd.s32 s1, s30  }
0xc0: {  	s0 =	sor.u32 s3, s0;
	s1 =	sshll.u32 s1, $0x11  }
0xc1: {  	s0 =	sor.u32 s1, s0  }
0xc2: {  	s0 =	sadd.s32 $0x8F2B, s0  }
0xc3: {  	[sflag:s0] =	ssyncadd.remote.s32 $0x1  }
0xc4: {  	_ =	sfence.sel $0xFFFF  }
0xc5: {  	[dreg:$0x0] =	wrdreg $0xFFFFFFFF;
	(pc) =	sbr.abs _section_cstart, $3  }
0xc6: {  	[dreg:$0x1] =	wrdreg $0xFFFFFFFF  }
0xc7: {  	_ =	task.clear_ibuf [dreg:s8], $0x2FFFF;
	_ =	strace $0x9FFFFFFF  }
0xc8: {  	(tm) =	ssettm $0x7FFFFFFF  }
0xc9: {  	_ =	shalt  }
tec
execute0_lowered:
.L_overlay_start_1:
0x0: {  	(tag) =	ssettag $0x1  }
0x1: {  	s1 =	srdreg.scid;
	s0 =	stileid.u32  }
0x2: {  	s12 =	sand.u32 $0x1, s1;
	s20 =	sshll.u32 s0, $0x1  }
0x3: {  	s9 =	rddreg [dreg:$0x0];
	s1 =	sor.u32 s12, s20  }
0x4: {  	s10 =	rddreg [dreg:$0x1];
	s2 =	simm.s32 $0x0;
	s6 =	smul.u32 $0x3, s1  }
0x5: {  	[smem:$0x7FF] =	sst s2;
	s13 =	sshll.u32 s12, $0xF  }
0x6: {  	s12 =	ssub.s32 $0x2, s12;
	s1 =	sshrl.u32 s6, $0x1;
	s5 =	sadd.s32 $0x1, s6  }
0x7: {  	s7 =	sshrl.u32 s6, $0x5;
	s4 =	sand.u32 $0xF, s1;
	s8 =	sshrl.u32 s5, $0x1  }
0x8: {  	s24 =	sadd.s32 $0x2, s6;
	s3 =	smul.u32 $0x43344, s4;
	s8 =	sand.u32 $0xF, s8  }
0x9: {  	s1 =	rddreg [dreg:$0x2];
	s11 =	sshll.u32 s7, $0x16;
	s21 =	smul.u32 $0x43344, s8  }
0xa: {  	s14 =	sshrl.u32 s5, $0x5;
	s5 =	sshll.u32 s5, $0xF;
	s3 =	sand.u32 $0x3F0000, s3  }
0xb: {  	s15 =	sshll.u32 s14, $0x16;
	s3 =	sor.u32 s11, s3;
	s11 =	sand.u32 $0x3F0000, s21  }
0xc: {  	_ =	strace $0x80000047;
	s16 =	sand.u32 $0x8000, s5;
	s22 =	sor.u32 s15, s11  }
0xd: {  	s7 =	sshll.u32 s7, $0x14;
	s3 =	sor.u32 s13, s3;
	s5 =	sor.u32 s16, s22  }
0xe: {  	s23 =	sshll.u32 s4, $0x10;
	s3 =	sshrl.u32 s3, $0x3;
	s5 =	sshrl.u32 s5, $0x3  }
0xf: {  	s3 =	sadd.s32 s9, s3;
	s4 =	sadd.s32 s9, s5;
	s5 =	simm.s32 $0x1  }
0x10: {  	[tilespmem:s2], [sflag:$0x1] =	stream.linear.gather [hbm4b:s3+s2], $0x8000, $0x38;
	[tilespmem:$0x10000] =	vst v63  }
0x11: {  	s6 =	sshrl.u32 s24, $0x1;
	s7 =	sor.u32 s7, s23;
	_ =	swait.ge [sflag:s5], $0x8000  }
0x12: {  	s25 =	sand.u32 $0xF, s6;
	s7 =	sor.u32 s13, s7;
	[sflag:s5] =	ssyncset.done $0x0  }
0x13: {  	s6 =	simm.s32 $0x8000;
	s7 =	sshrl.u32 s7, $0x3;
	[sflag:s5] =	ssyncadd.s32 $0xFFFF8000  }
0x14: {  	[tilespmem:s6], [sflag:$0x1] =	stream.linear.gather [hbm4b:s4+s2], $0x8000, $0x38;
	[tilespmem:$0x10000] =	vst v63  }
0x15: {  	s17 =	sshrl.u32 s24, $0x5;
	s26 =	smul.u32 $0x43344, s25;
	s7 =	sadd.s32 s10, s7  }
0x16: {  	[hbm4b:s7+s2] =	stream.linear.scatter [tilespmem:s2], [sflag:$0x2], $0x8000, $0x38;
	[tilespmem:$0x10000] =	vst v63  }
0x17: {  	s18 =	sshll.u32 s17, $0x16;
	s14 =	sshll.u32 s14, $0x14;
	_ =	swait.ge [sflag:s5], $0x8000  }
0x18: {  	s28 =	sshll.u32 s8, $0x10;
	s11 =	sand.u32 $0x3F0000, s26;
	[sflag:s5] =	ssyncset.done $0x0  }
0x19: {  	s8 =	simm.s32 $0x2;
	s11 =	sor.u32 s18, s11;
	[sflag:s5] =	ssyncadd.s32 $0xFFFF8000  }
0x1a: {  	s14 =	sor.u32 s14, s28;
	s11 =	sor.u32 s13, s11;
	_ =	swait.ge [sflag:s8], $0x8000  }
0x1b: {  	s14 =	sor.u32 s16, s14;
	s11 =	sshrl.u32 s11, $0x3;
	[sflag:s8] =	ssyncset.done $0x0  }
0x1c: {  	s29 =	sshrl.u32 s14, $0x3;
	s9 =	sadd.s32 s9, s11;
	[sflag:s8] =	ssyncadd.s32 $0xFFFF8000  }
0x1d: {  	[tilespmem:s2], [sflag:$0x1] =	stream.linear.gather [hbm4b:s9+s2], $0x8000, $0x38;
	[tilespmem:$0x10000] =	vst v63  }
0x1e: {  	s31 =	sshrl.u32 s12, $0x1;
	s11 =	sadd.s32 s10, s29  }
0x1f: {  	[hbm4b:s11+s2] =	stream.linear.scatter [tilespmem:s6], [sflag:$0x2], $0x8000, $0x38;
	[tilespmem:$0x10000] =	vst v63  }
0x20: {  	s12 =	ssub.s32 s12, s31;
	_ =	swait.ge [sflag:s5], $0x8000  }
0x21: {  	s30 =	sshll.u32 s17, $0x14;
	s15 =	sshll.u32 s25, $0x10;
	[sflag:s5] =	ssyncset.done $0x0  }
0x22: {  	s12 =	smax.u32 s12, $0x1;
	s14 =	sor.u32 s30, s15;
	[sflag:s5] =	ssyncadd.s32 $0xFFFF8000  }
0x23: {  	p0 =	sne.s32 s12, $0x1;
	s13 =	sor.u32 s13, s14;
	_ =	swait.ge [sflag:s8], $0x8000  }
.Ltmp0:
0x24: {  	s13 =	sshrl.u32 s13, $0x3;
	[sflag:s8] =	ssyncset.done $0x0;
	(pc) =	sbr.rel @!p0 .LBB2_2-.Ltmp0, $4  }
0x25: {  	s10 =	sadd.s32 s10, s13;
	[sflag:s8] =	ssyncadd.s32 $0xFFFF8000  }
0x26: {  	[hbm4b:s10+s2] =	stream.linear.scatter [tilespmem:s2], [sflag:$0x2], $0x8000, $0x38;
	[tilespmem:$0x10000] =	vst v63  }
0x27: {  	_ =	swait.ge [sflag:s8], $0x8000  }
0x28: {  	s12 =	sadd.s32 $0xFFFFFFFF, s12;
	[sflag:s8] =	ssyncset.done $0x0  }
.LBB2_1:
0x29: {  	p0 =	sne.s32 s12, $0x1;
	s12 =	sadd.s32 $0xFFFFFFFF, s12;
	[sflag:s8] =	ssyncadd.s32 $0xFFFF8000  }
0x2a: {  	[tilespmem:s2], [sflag:$0x1] =	stream.linear.gather [hbm4b:s3+s2], $0x8000, $0x38;
	[tilespmem:$0x10000] =	vst v63  }
0x2b: {  	_ =	swait.ge [sflag:s5], $0x8000  }
0x2c: {  	[sflag:s5] =	ssyncset.done $0x0  }
0x2d: {  	[sflag:s5] =	ssyncadd.s32 $0xFFFF8000  }
0x2e: {  	[tilespmem:s6], [sflag:$0x1] =	stream.linear.gather [hbm4b:s4+s2], $0x8000, $0x38;
	[tilespmem:$0x10000] =	vst v63  }
0x2f: {  	_ = 	snop  }
0x30: {  	[hbm4b:s7+s2] =	stream.linear.scatter [tilespmem:s2], [sflag:$0x2], $0x8000, $0x38;
	[tilespmem:$0x10000] =	vst v63  }
0x31: {  	_ =	swait.ge [sflag:s5], $0x8000  }
0x32: {  	[sflag:s5] =	ssyncset.done $0x0  }
0x33: {  	[sflag:s5] =	ssyncadd.s32 $0xFFFF8000  }
0x34: {  	_ =	swait.ge [sflag:s8], $0x8000  }
0x35: {  	[sflag:s8] =	ssyncset.done $0x0  }
0x36: {  	[sflag:s8] =	ssyncadd.s32 $0xFFFF8000  }
0x37: {  	[tilespmem:s2], [sflag:$0x1] =	stream.linear.gather [hbm4b:s9+s2], $0x8000, $0x38;
	[tilespmem:$0x10000] =	vst v63  }
0x38: {  	_ = 	snop  }
0x39: {  	[hbm4b:s11+s2] =	stream.linear.scatter [tilespmem:s6], [sflag:$0x2], $0x8000, $0x38;
	[tilespmem:$0x10000] =	vst v63  }
0x3a: {  	_ =	swait.ge [sflag:s5], $0x8000  }
0x3b: {  	[sflag:s5] =	ssyncset.done $0x0  }
0x3c: {  	[sflag:s5] =	ssyncadd.s32 $0xFFFF8000  }
0x3d: {  	_ =	swait.ge [sflag:s8], $0x8000  }
.Ltmp1:
0x3e: {  	[sflag:s8] =	ssyncset.done $0x0;
	(pc) =	sbr.rel @p0 .LBB2_1-.Ltmp1, $4  }
0x3f: {  	[sflag:s8] =	ssyncadd.s32 $0xFFFF8000  }
0x40: {  	[hbm4b:s10+s2] =	stream.linear.scatter [tilespmem:s2], [sflag:$0x2], $0x8000, $0x38;
	[tilespmem:$0x10000] =	vst v63  }
0x41: {  	_ =	swait.ge [sflag:s8], $0x8000  }
0x42: {  	[sflag:s8] =	ssyncset.done $0x0  }
.LBB2_2:
0x43: {  	[sflag:s8] =	ssyncadd.s32 $0xFFFF8000  }
0x44: {  	_ =	sfence.sel $0x180000  }
0x45: {  	[bflag:$0x0] =	sbarrier.arrive $0xFFFF  }
0x46: {  	p0 =	sne.s32 s0, $0x0;
	_ =	strace $0x90000047  }
0x47: {  	s0 =	sadd.s32 @!p0 $0x100000, s1;
	[bflag:$0x2] =	sbarrier.arrive $0xFFFF  }
0x48: {  	[sflag:s0] =	ssyncadd.tile.s32 @!p0 $0x1;
	_ =	shalt  }
.Lfunc_end2:
_tile_overlayer_lowered:
.L_overlay_start_2:
0x49: {  	(tag) =	ssettag $0x2  }
0x4a: {  	s0 =	rddreg [dreg:$0x0];
	s2 =	stileid.u32  }
0x4b: {  	s1 =	rddreg [dreg:$0x1];
	p0 =	sne.s32 s2, $0x0  }
0x4c: {  	s3 =	rddreg [dreg:$0x2];
	[bflag:$0x3] =	sbarrier.arrive $0xFFFF;
	s2 =	simm.s32 @!p0 $0x1C03  }
0x4d: {  	[timem:s3], [sflag:s2] =	dma.local @!p0 [hbm:s0], s1  }
0x4e: {  	s0 =	simm.s32 @!p0 $0x3  }
0x4f: {  	_ =	swait.ge @!p0 [sflag:s0], s1  }
0x50: {  	s1 =	ssub.s32 @!p0 $0x0, s1;
	[sflag:s0] =	ssyncset.done @!p0 $0x0  }
0x51: {  	[sflag:s0] =	ssyncadd.s32 @!p0 s1  }
0x52: {  	[bflag:$0x3] =	sbarrier.arrive $0xFFFF  }
0x53: {  	_ =	shalt  }

</sc_bundles>
